<compile_context>
chip_gen: v7x
topology: tpu7x:2x2x1
jax: 0.10.2.dev20260603
libtpu: 0.0.44.dev20260713+nightly
codegen_flags: <defaults>
</compile_context>

<pallas_src>
import functools

import jax
import jax.numpy as jnp
from jax import lax
from jax.experimental import pallas as pl
from jax.experimental.pallas import tpu as pltpu
from jax.experimental.pallas import tpu_sc as plsc

TOP_K = 8
BLOCK_M = 1024


def _matmul_body(x_ref, w_ref, h_ref):
    h_ref[...] = jnp.dot(x_ref[...], w_ref[...],
                         preferred_element_type=jnp.float32)


def _gate_logits(xf, W_gate):
    t, d_model = xf.shape
    n_experts = W_gate.shape[-1]
    bm = min(BLOCK_M, t)
    return pl.pallas_call(
        _matmul_body,
        grid=(t // bm,),
        in_specs=[
            pl.BlockSpec((bm, d_model), lambda i: (i, 0)),
            pl.BlockSpec((d_model, n_experts), lambda i: (0, 0)),
        ],
        out_specs=pl.BlockSpec((bm, n_experts), lambda i: (i, 0)),
        out_shape=jax.ShapeDtypeStruct((t, n_experts), jnp.float32),
    )(xf, W_gate)


def _gather16(v, idx):
    dnums = lax.GatherDimensionNumbers(
        offset_dims=(), collapsed_slice_dims=(0,), start_index_map=(0,))
    return lax.gather(v, idx[:, None], dnums, (1,),
                      mode=lax.GatherScatterMode.PROMISE_IN_BOUNDS)


def _merge_top16(a, b, iota):
    h = jnp.maximum(a, lax.rev(b, (0,)))
    for stride in (8, 4, 2, 1):
        p = _gather16(h, iota ^ stride)
        keep_max = (iota & stride) == 0
        h = jnp.where(keep_max, jnp.maximum(h, p), jnp.minimum(h, p))
    return h


def _sc_router_body(h_hbm, dw_hbm, idx_hbm, parts_hbm,
                    h_v, dw_v, idx_v, util_v, stage_v):
    nc = 2
    wid = lax.axis_index("s") * nc + lax.axis_index("c")
    tpw = h_v.shape[0]
    base = wid * tpw
    iota = lax.iota(jnp.int32, 16)
    min_mask = jnp.int32(~63)

    pltpu.sync_copy(h_hbm.at[pl.ds(base, tpw)], h_v)

    zeros16 = jnp.zeros((16,), jnp.float32)
    for j in range(4):
        util_v[pl.ds(16 * j, 16)] = zeros16

    def body(tok, imp):
        lg = [h_v[tok, pl.ds(16 * j, 16)] for j in range(4)]
        ks = []
        for j in range(4):
            b = lax.bitcast_convert_type(lg[j], jnp.int32)
            kb = jnp.where(b < 0, b ^ jnp.int32(0x7FFFFFFF), b)
            ks.append((kb & min_mask) | (63 - (iota + 16 * j)))
        ss = [plsc.sort_key_val(k, k, descending=True)[0] for k in ks]
        t01 = _merge_top16(ss[0], ss[1], iota)
        t23 = _merge_top16(ss[2], ss[3], iota)
        top = _merge_top16(t01, t23, iota)
        idx8 = 63 - (top & 63)
        tb = top & min_mask
        vb = jnp.where(tb < 0, tb ^ jnp.int32(0x7FFFFFFF), tb)
        vals = lax.bitcast_convert_type(vb, jnp.float32)
        v0 = jnp.max(vals)
        e = jnp.where(iota < TOP_K, jnp.exp(vals - v0), 0.0)
        dw = e / jnp.sum(e)
        mask8 = iota < TOP_K
        plsc.store_compressed(dw_v.at[pl.ds(tok * TOP_K, 16)], dw, mask=mask8)
        plsc.store_compressed(idx_v.at[pl.ds(tok * TOP_K, 16)], idx8, mask=mask8)
        plsc.addupdate_scatter(util_v, [idx8], jnp.ones((16,), jnp.float32),
                               mask=mask8)
        p = [jnp.exp(g - v0) for g in lg]
        s64 = jnp.sum(p[0]) + jnp.sum(p[1]) + jnp.sum(p[2]) + jnp.sum(p[3])
        return tuple(imp[j] + p[j] / s64 for j in range(4))

    imp = lax.fori_loop(0, tpw, body, (zeros16,) * 4)

    pltpu.sync_copy(dw_v.at[pl.ds(0, tpw * TOP_K)],
                    dw_hbm.at[pl.ds(base * TOP_K, tpw * TOP_K)])
    pltpu.sync_copy(idx_v.at[pl.ds(0, tpw * TOP_K)],
                    idx_hbm.at[pl.ds(base * TOP_K, tpw * TOP_K)])

    for j in range(4):
        stage_v[pl.ds(16 * j, 16)] = util_v[pl.ds(16 * j, 16)]
        stage_v[pl.ds(64 + 16 * j, 16)] = imp[j]
    pltpu.sync_copy(stage_v, parts_hbm.at[wid])


def _sc_route(h):
    t = h.shape[0]
    nw = 32
    tpw = t // nw
    mesh = plsc.VectorSubcoreMesh(core_axis_name="c", subcore_axis_name="s")
    f = functools.partial(
        pl.kernel, mesh=mesh,
        compiler_params=pltpu.CompilerParams(needs_layout_passes=False),
        out_type=[
            jax.ShapeDtypeStruct((t * TOP_K,), jnp.float32),
            jax.ShapeDtypeStruct((t * TOP_K,), jnp.int32),
            jax.ShapeDtypeStruct((nw, 128), jnp.float32),
        ],
        scratch_types=[
            pltpu.VMEM((tpw, 64), jnp.float32),
            pltpu.VMEM((tpw * TOP_K + 8,), jnp.float32),
            pltpu.VMEM((tpw * TOP_K + 8,), jnp.int32),
            pltpu.VMEM((64,), jnp.float32),
            pltpu.VMEM((128,), jnp.float32),
        ],
    )(_sc_router_body)
    return f(h)


def _aux_body(parts_ref, aux_ref):
    parts = parts_ref[...]
    util = jnp.sum(parts[:, :64], axis=0)
    imp = jnp.sum(parts[:, 64:], axis=0)

    def cv(v):
        mean = jnp.sum(v) / 64.0
        var = jnp.sum((v - mean) ** 2) / 63.0
        return jnp.sqrt(var) / (mean + 1e-6)

    val = (cv(util) + cv(imp)) * 0.01
    aux_ref[...] = jnp.full((1, 1), val, jnp.float32)


def _aux_loss(parts):
    return pl.pallas_call(
        _aux_body,
        out_shape=jax.ShapeDtypeStruct((1, 1), jnp.float32),
    )(parts)


def kernel(x, W_gate, W_noise):
    orig_shape = x.shape
    d_model = x.shape[-1]
    xf = x.reshape(-1, d_model)
    t = xf.shape[0]
    n_chunks = 2
    tc = t // n_chunks
    hs = [_gate_logits(lax.slice_in_dim(xf, i * tc, (i + 1) * tc), W_gate)
          for i in range(n_chunks)]
    routed = [_sc_route(h) for h in hs]
    dw = jnp.concatenate([r[0] for r in routed])
    idxs = jnp.concatenate([r[1] for r in routed])
    parts = jnp.concatenate([r[2] for r in routed])
    aux = _aux_loss(parts)
    return (dw.reshape(orig_shape[:-1] + (TOP_K,)),
            idxs.reshape(orig_shape[:-1] + (TOP_K,)),
            aux[0, 0])

# --- scband reference (transcript-rebuilt; emitter-appended) ---
"""Pipeline reference for scband-noisy-top-krouter-81844896792931 (READ-ONLY COPY).

The authoritative reference and input builder live on the scoring server;
editing this copy changes nothing except your own understanding.
"""

import jax, jax.numpy as jnp
import numpy as np

D_MODEL = 4096
N_EXPERTS = 64
TOP_K = 8
NOISE_STD = 0.01


def setup_inputs(seed: int = 0) -> dict:
    key = jax.random.key(seed)
    k1, k2, k3 = jax.random.split(key, 3)
    x = jax.random.normal(k1, (4, 4096, D_MODEL), dtype=jnp.float32)
    W_gate = jax.random.normal(k2, (D_MODEL, N_EXPERTS), dtype=jnp.float32) * 0.02
    W_noise = jax.random.normal(k3, (D_MODEL, N_EXPERTS), dtype=jnp.float32) * 0.02
    return {"x": x, "W_gate": W_gate, "W_noise": W_noise}


def reference(x, W_gate, W_noise):
    orig_shape = x.shape
    x_flat = x.reshape(-1, x.shape[-1])
    h = x_flat @ W_gate
    noise = jax.nn.softplus(x_flat @ W_noise) * NOISE_STD  # computed but unused in eval mode (matches torch eval path)
    noisy_logits = h  # eval mode: self.training == False
    _, top_k_indices = jax.lax.top_k(noisy_logits, TOP_K)
    top_k_logits = jnp.take_along_axis(noisy_logits, top_k_indices, axis=-1)
    dispatch_weights = jax.nn.softmax(top_k_logits, axis=-1)
    dispatch_weights = dispatch_weights.reshape(orig_shape[:-1] + (TOP_K,))
    top_k_indices = top_k_indices.reshape(orig_shape[:-1] + (TOP_K,))
    probs = jax.nn.softmax(h, axis=-1)
    probs = probs.reshape(orig_shape[:-1] + (N_EXPERTS,))
    mask = jax.nn.one_hot(top_k_indices, N_EXPERTS, dtype=jnp.float32)
    expert_util = mask.reshape(-1, N_EXPERTS).sum(0)
    importance = probs.reshape(-1, N_EXPERTS).sum(0)
    load = expert_util
    cv = jnp.std(load, ddof=1) / (load.mean() + 1e-06) + jnp.std(importance, ddof=1) / (importance.mean() + 1e-06)
    auxiliary_loss = cv * 0.01
    return (dispatch_weights, top_k_indices, auxiliary_loss)

if __name__ == "__main__":
    import jax
    _d = setup_inputs()
    print(jax.jit(kernel)(*tuple(_d.values())))

</pallas_src>

<mosaic_0001>
#map = affine_map<(d0, d1) -> (0, 0)>
#map1 = affine_map<(d0, d1) -> (0)>
module attributes {stable_mosaic.version = 14 : i64} {
  func.func @_sc_router_body(%arg0: i32, %arg1: i32, %arg2: memref<8192x64xf32, #tpu.memory_space<hbm>>, %arg3: memref<65536xf32, #tpu.memory_space<hbm>>, %arg4: memref<65536xi32, #tpu.memory_space<hbm>>, %arg5: memref<32x128xf32, #tpu.memory_space<hbm>>, %arg6: memref<256x64xf32, #tpu.memory_space<vmem>>, %arg7: memref<2056xf32, #tpu.memory_space<vmem>>, %arg8: memref<2056xi32, #tpu.memory_space<vmem>>, %arg9: memref<64xf32, #tpu.memory_space<vmem>>, %arg10: memref<128xf32, #tpu.memory_space<vmem>>) attributes {dimension_semantics = [#tpu.dimension_semantics<core_parallel>, #tpu.dimension_semantics<subcore_parallel>], iteration_bounds = array<i64: 2, 16>, scalar_prefetch = 0 : i64, scratch_operands = 5 : i64, tpu.core_type = #tpu.core_type<sc_vector_subcore>, window_params = [{transform_indices = #map}, {transform_indices = #map1}, {transform_indices = #map1}, {transform_indices = #map}]} {
    %mul3A = arith.constant 2 : i32
    %mul3A_0 = arith.muli %arg1, %mul3A : i32
    %add3A = arith.addi %mul3A_0, %arg0 : i32
    %mul3A_1 = arith.constant 256 : i32
    %mul3A_2 = arith.muli %add3A, %mul3A_1 : i32
    %iota3A = tpu.iota {dimensions = array<i32: 0>} : vector<16xi32>
    "tpu.region"() ({
      %run_scoped3A = tpu.sem_alloc : memref<!tpu.dma_semaphore, #tpu.memory_space<semaphore_mem>>
      %dma_start3A = arith.constant 0 : i32
      %dma_start3A_44 = tpu.memref_slice %arg2[%mul3A_2, %dma_start3A] : memref<8192x64xf32, #tpu.memory_space<hbm>> -> memref<256x64xf32, #tpu.memory_space<hbm>>
      %dma_start3A_45 = arith.constant 0 : i32
      %dma_start3A_46 = tpu.memref_slice %arg2[%mul3A_2, %dma_start3A_45] : memref<8192x64xf32, #tpu.memory_space<hbm>> -> memref<256x64xf32, #tpu.memory_space<hbm>>
      tpu.enqueue_dma source(%dma_start3A_46 : memref<256x64xf32, #tpu.memory_space<hbm>>) target(%arg6 : memref<256x64xf32, #tpu.memory_space<vmem>>) target_semaphore(%run_scoped3A : memref<!tpu.dma_semaphore, #tpu.memory_space<semaphore_mem>>)
      %dma_wait3A = arith.constant 0 : i32
      %dma_wait3A_47 = tpu.memref_slice %arg2[%mul3A_2, %dma_wait3A] : memref<8192x64xf32, #tpu.memory_space<hbm>> -> memref<256x64xf32, #tpu.memory_space<hbm>>
      %dma_wait3A_48 = arith.constant 0 : i32
      %dma_wait3A_49 = tpu.memref_slice %arg2[%mul3A_2, %dma_wait3A_48] : memref<8192x64xf32, #tpu.memory_space<hbm>> -> memref<256x64xf32, #tpu.memory_space<hbm>>
      tpu.wait_dma2 semaphore(%run_scoped3A : memref<!tpu.dma_semaphore, #tpu.memory_space<semaphore_mem>>) src(%dma_wait3A_49 : memref<256x64xf32, #tpu.memory_space<hbm>>) dst(%arg6 : memref<256x64xf32, #tpu.memory_space<vmem>>)
      tpu.yield
    }) : () -> ()
    %broadcast_in_dim3A = arith.constant 0.000000e+00 : f32
    %broadcast_in_dim3A_3 = vector.broadcast %broadcast_in_dim3A : f32 to vector<16xf32>
    %swap3A = arith.constant 0 : index
    %swap3A_4 = tpu.vector_load %arg9[%swap3A] {strides = array<i32>} : memref<64xf32, #tpu.memory_space<vmem>>, vector<16xf32>,
    tpu.vector_store %arg9[%swap3A], %broadcast_in_dim3A_3 {strides = array<i32>} : memref<64xf32, #tpu.memory_space<vmem>>, vector<16xf32>,
    %swap3A_5 = arith.constant 16 : index
    %swap3A_6 = tpu.vector_load %arg9[%swap3A_5] {strides = array<i32>} : memref<64xf32, #tpu.memory_space<vmem>>, vector<16xf32>,
    tpu.vector_store %arg9[%swap3A_5], %broadcast_in_dim3A_3 {strides = array<i32>} : memref<64xf32, #tpu.memory_space<vmem>>, vector<16xf32>,
    %swap3A_7 = arith.constant 32 : index
    %swap3A_8 = tpu.vector_load %arg9[%swap3A_7] {strides = array<i32>} : memref<64xf32, #tpu.memory_space<vmem>>, vector<16xf32>,
    tpu.vector_store %arg9[%swap3A_7], %broadcast_in_dim3A_3 {strides = array<i32>} : memref<64xf32, #tpu.memory_space<vmem>>, vector<16xf32>,
    %swap3A_9 = arith.constant 48 : index
    %swap3A_10 = tpu.vector_load %arg9[%swap3A_9] {strides = array<i32>} : memref<64xf32, #tpu.memory_space<vmem>>, vector<16xf32>,
    tpu.vector_store %arg9[%swap3A_9], %broadcast_in_dim3A_3 {strides = array<i32>} : memref<64xf32, #tpu.memory_space<vmem>>, vector<16xf32>,
    %scan3A = arith.constant -64 : i32
    %scan3A_11 = arith.constant 0 : i32
    %scan3A_12 = arith.constant 256 : i32
    %scan3A_13 = arith.addi %scan3A_11, %scan3A_12 : i32
    %scan3A_14 = arith.constant 1 : i32
    %scan3A_15:4 = scf.for %scan3A_44 = %scan3A_11 to %scan3A_13 step %scan3A_14 iter_args(%scan3A_45 = %broadcast_in_dim3A_3, %scan3A_46 = %broadcast_in_dim3A_3, %scan3A_47 = %broadcast_in_dim3A_3, %scan3A_48 = %broadcast_in_dim3A_3) -> (vector<16xf32>, vector<16xf32>, vector<16xf32>, vector<16xf32>)  : i32 {
      %get3A_49 = arith.index_cast %scan3A_44 : i32 to index
      %get3A_50 = arith.constant 0 : index
      %get3A_51 = tpu.vector_load %arg6[%get3A_49, %get3A_50] {strides = array<i32>} : memref<256x64xf32, #tpu.memory_space<vmem>>, vector<16xf32>,
      %get3A_52 = arith.index_cast %scan3A_44 : i32 to index
      %get3A_53 = arith.constant 16 : index
      %get3A_54 = tpu.vector_load %arg6[%get3A_52, %get3A_53] {strides = array<i32>} : memref<256x64xf32, #tpu.memory_space<vmem>>, vector<16xf32>,
      %get3A_55 = arith.index_cast %scan3A_44 : i32 to index
      %get3A_56 = arith.constant 32 : index
      %get3A_57 = tpu.vector_load %arg6[%get3A_55, %get3A_56] {strides = array<i32>} : memref<256x64xf32, #tpu.memory_space<vmem>>, vector<16xf32>,
      %get3A_58 = arith.index_cast %scan3A_44 : i32 to index
      %get3A_59 = arith.constant 48 : index
      %get3A_60 = tpu.vector_load %arg6[%get3A_58, %get3A_59] {strides = array<i32>} : memref<256x64xf32, #tpu.memory_space<vmem>>, vector<16xf32>,
      %bitcast_convert_type3A = tpu.bitcast %get3A_51 : vector<16xf32> -> vector<16xi32>
      %lt3A = arith.constant 0 : i32
      %lt3A_61 = vector.broadcast %lt3A : i32 to vector<16xi32>
      %lt3A_62 = arith.cmpi slt, %bitcast_convert_type3A, %lt3A_61 : vector<16xi32>
      %xor3A = arith.constant 2147483647 : i32
      %xor3A_63 = vector.broadcast %xor3A : i32 to vector<16xi32>
      %xor3A_64 = arith.xori %bitcast_convert_type3A, %xor3A_63 : vector<16xi32>
      %select_n3A = arith.select %lt3A_62, %xor3A_64, %bitcast_convert_type3A : vector<16xi1>, vector<16xi32>
      %and3A = vector.broadcast %scan3A : i32 to vector<16xi32>
      %and3A_65 = arith.andi %select_n3A, %and3A : vector<16xi32>
      %add3A_66 = arith.constant 0 : i32
      %add3A_67 = vector.broadcast %add3A_66 : i32 to vector<16xi32>
      %add3A_68 = arith.addi %iota3A, %add3A_67 : vector<16xi32>
      %sub3A = arith.constant 63 : i32
      %sub3A_69 = vector.broadcast %sub3A : i32 to vector<16xi32>
      %sub3A_70 = arith.subi %sub3A_69, %add3A_68 : vector<16xi32>
      %or3A = arith.ori %and3A_65, %sub3A_70 : vector<16xi32>
      %bitcast_convert_type3A_71 = tpu.bitcast %get3A_54 : vector<16xf32> -> vector<16xi32>
      %lt3A_72 = arith.constant 0 : i32
      %lt3A_73 = vector.broadcast %lt3A_72 : i32 to vector<16xi32>
      %lt3A_74 = arith.cmpi slt, %bitcast_convert_type3A_71, %lt3A_73 : vector<16xi32>
      %xor3A_75 = arith.constant 2147483647 : i32
      %xor3A_76 = vector.broadcast %xor3A_75 : i32 to vector<16xi32>
      %xor3A_77 = arith.xori %bitcast_convert_type3A_71, %xor3A_76 : vector<16xi32>
      %select_n3A_78 = arith.select %lt3A_74, %xor3A_77, %bitcast_convert_type3A_71 : vector<16xi1>, vector<16xi32>
      %and3A_79 = vector.broadcast %scan3A : i32 to vector<16xi32>
      %and3A_80 = arith.andi %select_n3A_78, %and3A_79 : vector<16xi32>
      %add3A_81 = arith.constant 16 : i32
      %add3A_82 = vector.broadcast %add3A_81 : i32 to vector<16xi32>
      %add3A_83 = arith.addi %iota3A, %add3A_82 : vector<16xi32>
      %sub3A_84 = arith.constant 63 : i32
      %sub3A_85 = vector.broadcast %sub3A_84 : i32 to vector<16xi32>
      %sub3A_86 = arith.subi %sub3A_85, %add3A_83 : vector<16xi32>
      %or3A_87 = arith.ori %and3A_80, %sub3A_86 : vector<16xi32>
      %bitcast_convert_type3A_88 = tpu.bitcast %get3A_57 : vector<16xf32> -> vector<16xi32>
      %lt3A_89 = arith.constant 0 : i32
      %lt3A_90 = vector.broadcast %lt3A_89 : i32 to vector<16xi32>
      %lt3A_91 = arith.cmpi slt, %bitcast_convert_type3A_88, %lt3A_90 : vector<16xi32>
      %xor3A_92 = arith.constant 2147483647 : i32
      %xor3A_93 = vector.broadcast %xor3A_92 : i32 to vector<16xi32>
      %xor3A_94 = arith.xori %bitcast_convert_type3A_88, %xor3A_93 : vector<16xi32>
      %select_n3A_95 = arith.select %lt3A_91, %xor3A_94, %bitcast_convert_type3A_88 : vector<16xi1>, vector<16xi32>
      %and3A_96 = vector.broadcast %scan3A : i32 to vector<16xi32>
      %and3A_97 = arith.andi %select_n3A_95, %and3A_96 : vector<16xi32>
      %add3A_98 = arith.constant 32 : i32
      %add3A_99 = vector.broadcast %add3A_98 : i32 to vector<16xi32>
      %add3A_100 = arith.addi %iota3A, %add3A_99 : vector<16xi32>
      %sub3A_101 = arith.constant 63 : i32
      %sub3A_102 = vector.broadcast %sub3A_101 : i32 to vector<16xi32>
      %sub3A_103 = arith.subi %sub3A_102, %add3A_100 : vector<16xi32>
      %or3A_104 = arith.ori %and3A_97, %sub3A_103 : vector<16xi32>
      %bitcast_convert_type3A_105 = tpu.bitcast %get3A_60 : vector<16xf32> -> vector<16xi32>
      %lt3A_106 = arith.constant 0 : i32
      %lt3A_107 = vector.broadcast %lt3A_106 : i32 to vector<16xi32>
      %lt3A_108 = arith.cmpi slt, %bitcast_convert_type3A_105, %lt3A_107 : vector<16xi32>
      %xor3A_109 = arith.constant 2147483647 : i32
      %xor3A_110 = vector.broadcast %xor3A_109 : i32 to vector<16xi32>
      %xor3A_111 = arith.xori %bitcast_convert_type3A_105, %xor3A_110 : vector<16xi32>
      %select_n3A_112 = arith.select %lt3A_108, %xor3A_111, %bitcast_convert_type3A_105 : vector<16xi1>, vector<16xi32>
      %and3A_113 = vector.broadcast %scan3A : i32 to vector<16xi32>
      %and3A_114 = arith.andi %select_n3A_112, %and3A_113 : vector<16xi32>
      %add3A_115 = arith.constant 48 : i32
      %add3A_116 = vector.broadcast %add3A_115 : i32 to vector<16xi32>
      %add3A_117 = arith.addi %iota3A, %add3A_116 : vector<16xi32>
      %sub3A_118 = arith.constant 63 : i32
      %sub3A_119 = vector.broadcast %sub3A_118 : i32 to vector<16xi32>
      %sub3A_120 = arith.subi %sub3A_119, %add3A_117 : vector<16xi32>
      %or3A_121 = arith.ori %and3A_114, %sub3A_120 : vector<16xi32>
      %masked_sort3A = arith.constant dense<true> : vector<16xi1>
      %masked_sort3A_122 = arith.constant -2147483648 : i32
      %masked_sort3A_123 = vector.broadcast %masked_sort3A_122 : i32 to vector<16xi32>
      %masked_sort3A_124 = arith.xori %or3A, %masked_sort3A_123 : vector<16xi32>
      %masked_sort3A_125, %masked_sort3A_126, %masked_sort3A_127 = tpu.sort %masked_sort3A_124, %or3A masked %masked_sort3A {descending = true} : (vector<16xi32>, vector<16xi32>, vector<16xi1>) -> (vector<16xi1>, vector<16xi32>, vector<16xi32>)
      %masked_sort3A_128 = arith.xori %masked_sort3A_126, %masked_sort3A_123 : vector<16xi32>
      %masked_sort3A_129 = arith.constant dense<true> : vector<16xi1>
      %masked_sort3A_130 = arith.constant -2147483648 : i32
      %masked_sort3A_131 = vector.broadcast %masked_sort3A_130 : i32 to vector<16xi32>
      %masked_sort3A_132 = arith.xori %or3A_87, %masked_sort3A_131 : vector<16xi32>
      %masked_sort3A_133, %masked_sort3A_134, %masked_sort3A_135 = tpu.sort %masked_sort3A_132, %or3A_87 masked %masked_sort3A_129 {descending = true} : (vector<16xi32>, vector<16xi32>, vector<16xi1>) -> (vector<16xi1>, vector<16xi32>, vector<16xi32>)
      %masked_sort3A_136 = arith.xori %masked_sort3A_134, %masked_sort3A_131 : vector<16xi32>
      %masked_sort3A_137 = arith.constant dense<true> : vector<16xi1>
      %masked_sort3A_138 = arith.constant -2147483648 : i32
      %masked_sort3A_139 = vector.broadcast %masked_sort3A_138 : i32 to vector<16xi32>
      %masked_sort3A_140 = arith.xori %or3A_104, %masked_sort3A_139 : vector<16xi32>
      %masked_sort3A_141, %masked_sort3A_142, %masked_sort3A_143 = tpu.sort %masked_sort3A_140, %or3A_104 masked %masked_sort3A_137 {descending = true} : (vector<16xi32>, vector<16xi32>, vector<16xi1>) -> (vector<16xi1>, vector<16xi32>, vector<16xi32>)
      %masked_sort3A_144 = arith.xori %masked_sort3A_142, %masked_sort3A_139 : vector<16xi32>
      %masked_sort3A_145 = arith.constant dense<true> : vector<16xi1>
      %masked_sort3A_146 = arith.constant -2147483648 : i32
      %masked_sort3A_147 = vector.broadcast %masked_sort3A_146 : i32 to vector<16xi32>
      %masked_sort3A_148 = arith.xori %or3A_121, %masked_sort3A_147 : vector<16xi32>
      %masked_sort3A_149, %masked_sort3A_150, %masked_sort3A_151 = tpu.sort %masked_sort3A_148, %or3A_121 masked %masked_sort3A_145 {descending = true} : (vector<16xi32>, vector<16xi32>, vector<16xi1>) -> (vector<16xi1>, vector<16xi32>, vector<16xi32>)
      %masked_sort3A_152 = arith.xori %masked_sort3A_150, %masked_sort3A_147 : vector<16xi32>
      %rev3A = arith.constant 15 : i32
      %rev3A_153 = vector.broadcast %rev3A : i32 to vector<16xi32>
      %rev3A_154 = tpu.iota {dimensions = array<i32: 0>} : vector<16xi32>
      %rev3A_155 = arith.subi %rev3A_153, %rev3A_154 : vector<16xi32>
      %rev3A_156 = tpu.dynamic_gather %masked_sort3A_136[%rev3A_155] in [0] : vector<16xi32>, vector<16xi32> -> vector<16xi32>
      %max3A = arith.maxsi %masked_sort3A_128, %rev3A_156 : vector<16xi32>
      %xor3A_157 = arith.constant 8 : i32
      %xor3A_158 = vector.broadcast %xor3A_157 : i32 to vector<16xi32>
      %xor3A_159 = arith.xori %iota3A, %xor3A_158 : vector<16xi32>
      %broadcast_in_dim3A_160 = vector.shape_cast %xor3A_159 : vector<16xi32> to vector<16x1xi32>
      %gather3A = vector.shape_cast %broadcast_in_dim3A_160 : vector<16x1xi32> to vector<16xi32>
      %gather3A_161 = tpu.dynamic_gather %max3A[%gather3A] in [0] : vector<16xi32>, vector<16xi32> -> vector<16xi32>
      %and3A_162 = arith.constant 8 : i32
      %and3A_163 = vector.broadcast %and3A_162 : i32 to vector<16xi32>
      %and3A_164 = arith.andi %iota3A, %and3A_163 : vector<16xi32>
      %eq3A = arith.constant 0 : i32
      %eq3A_165 = vector.broadcast %eq3A : i32 to vector<16xi32>
      %eq3A_166 = arith.cmpi eq, %and3A_164, %eq3A_165 : vector<16xi32>
      %max3A_167 = arith.maxsi %max3A, %gather3A_161 : vector<16xi32>
      %min3A = arith.minsi %max3A, %gather3A_161 : vector<16xi32>
      %select_n3A_168 = arith.select %eq3A_166, %max3A_167, %min3A : vector<16xi1>, vector<16xi32>
      %xor3A_169 = arith.constant 4 : i32
      %xor3A_170 = vector.broadcast %xor3A_169 : i32 to vector<16xi32>
      %xor3A_171 = arith.xori %iota3A, %xor3A_170 : vector<16xi32>
      %broadcast_in_dim3A_172 = vector.shape_cast %xor3A_171 : vector<16xi32> to vector<16x1xi32>
      %gather3A_173 = vector.shape_cast %broadcast_in_dim3A_172 : vector<16x1xi32> to vector<16xi32>
      %gather3A_174 = tpu.dynamic_gather %select_n3A_168[%gather3A_173] in [0] : vector<16xi32>, vector<16xi32> -> vector<16xi32>
      %and3A_175 = arith.constant 4 : i32
      %and3A_176 = vector.broadcast %and3A_175 : i32 to vector<16xi32>
      %and3A_177 = arith.andi %iota3A, %and3A_176 : vector<16xi32>
      %eq3A_178 = arith.constant 0 : i32
      %eq3A_179 = vector.broadcast %eq3A_178 : i32 to vector<16xi32>
      %eq3A_180 = arith.cmpi eq, %and3A_177, %eq3A_179 : vector<16xi32>
      %max3A_181 = arith.maxsi %select_n3A_168, %gather3A_174 : vector<16xi32>
      %min3A_182 = arith.minsi %select_n3A_168, %gather3A_174 : vector<16xi32>
      %select_n3A_183 = arith.select %eq3A_180, %max3A_181, %min3A_182 : vector<16xi1>, vector<16xi32>
      %xor3A_184 = arith.constant 2 : i32
      %xor3A_185 = vector.broadcast %xor3A_184 : i32 to vector<16xi32>
      %xor3A_186 = arith.xori %iota3A, %xor3A_185 : vector<16xi32>
      %broadcast_in_dim3A_187 = vector.shape_cast %xor3A_186 : vector<16xi32> to vector<16x1xi32>
      %gather3A_188 = vector.shape_cast %broadcast_in_dim3A_187 : vector<16x1xi32> to vector<16xi32>
      %gather3A_189 = tpu.dynamic_gather %select_n3A_183[%gather3A_188] in [0] : vector<16xi32>, vector<16xi32> -> vector<16xi32>
      %and3A_190 = arith.constant 2 : i32
      %and3A_191 = vector.broadcast %and3A_190 : i32 to vector<16xi32>
      %and3A_192 = arith.andi %iota3A, %and3A_191 : vector<16xi32>
      %eq3A_193 = arith.constant 0 : i32
      %eq3A_194 = vector.broadcast %eq3A_193 : i32 to vector<16xi32>
      %eq3A_195 = arith.cmpi eq, %and3A_192, %eq3A_194 : vector<16xi32>
      %max3A_196 = arith.maxsi %select_n3A_183, %gather3A_189 : vector<16xi32>
      %min3A_197 = arith.minsi %select_n3A_183, %gather3A_189 : vector<16xi32>
      %select_n3A_198 = arith.select %eq3A_195, %max3A_196, %min3A_197 : vector<16xi1>, vector<16xi32>
      %xor3A_199 = arith.constant 1 : i32
      %xor3A_200 = vector.broadcast %xor3A_199 : i32 to vector<16xi32>
      %xor3A_201 = arith.xori %iota3A, %xor3A_200 : vector<16xi32>
      %broadcast_in_dim3A_202 = vector.shape_cast %xor3A_201 : vector<16xi32> to vector<16x1xi32>
      %gather3A_203 = vector.shape_cast %broadcast_in_dim3A_202 : vector<16x1xi32> to vector<16xi32>
      %gather3A_204 = tpu.dynamic_gather %select_n3A_198[%gather3A_203] in [0] : vector<16xi32>, vector<16xi32> -> vector<16xi32>
      %and3A_205 = arith.constant 1 : i32
      %and3A_206 = vector.broadcast %and3A_205 : i32 to vector<16xi32>
      %and3A_207 = arith.andi %iota3A, %and3A_206 : vector<16xi32>
      %eq3A_208 = arith.constant 0 : i32
      %eq3A_209 = vector.broadcast %eq3A_208 : i32 to vector<16xi32>
      %eq3A_210 = arith.cmpi eq, %and3A_207, %eq3A_209 : vector<16xi32>
      %max3A_211 = arith.maxsi %select_n3A_198, %gather3A_204 : vector<16xi32>
      %min3A_212 = arith.minsi %select_n3A_198, %gather3A_204 : vector<16xi32>
      %select_n3A_213 = arith.select %eq3A_210, %max3A_211, %min3A_212 : vector<16xi1>, vector<16xi32>
      %rev3A_214 = arith.constant 15 : i32
      %rev3A_215 = vector.broadcast %rev3A_214 : i32 to vector<16xi32>
      %rev3A_216 = tpu.iota {dimensions = array<i32: 0>} : vector<16xi32>
      %rev3A_217 = arith.subi %rev3A_215, %rev3A_216 : vector<16xi32>
      %rev3A_218 = tpu.dynamic_gather %masked_sort3A_152[%rev3A_217] in [0] : vector<16xi32>, vector<16xi32> -> vector<16xi32>
      %max3A_219 = arith.maxsi %masked_sort3A_144, %rev3A_218 : vector<16xi32>
      %xor3A_220 = arith.constant 8 : i32
      %xor3A_221 = vector.broadcast %xor3A_220 : i32 to vector<16xi32>
      %xor3A_222 = arith.xori %iota3A, %xor3A_221 : vector<16xi32>
      %broadcast_in_dim3A_223 = vector.shape_cast %xor3A_222 : vector<16xi32> to vector<16x1xi32>
      %gather3A_224 = vector.shape_cast %broadcast_in_dim3A_223 : vector<16x1xi32> to vector<16xi32>
      %gather3A_225 = tpu.dynamic_gather %max3A_219[%gather3A_224] in [0] : vector<16xi32>, vector<16xi32> -> vector<16xi32>
      %and3A_226 = arith.constant 8 : i32
      %and3A_227 = vector.broadcast %and3A_226 : i32 to vector<16xi32>
      %and3A_228 = arith.andi %iota3A, %and3A_227 : vector<16xi32>
      %eq3A_229 = arith.constant 0 : i32
      %eq3A_230 = vector.broadcast %eq3A_229 : i32 to vector<16xi32>
      %eq3A_231 = arith.cmpi eq, %and3A_228, %eq3A_230 : vector<16xi32>
      %max3A_232 = arith.maxsi %max3A_219, %gather3A_225 : vector<16xi32>
      %min3A_233 = arith.minsi %max3A_219, %gather3A_225 : vector<16xi32>
      %select_n3A_234 = arith.select %eq3A_231, %max3A_232, %min3A_233 : vector<16xi1>, vector<16xi32>
      %xor3A_235 = arith.constant 4 : i32
      %xor3A_236 = vector.broadcast %xor3A_235 : i32 to vector<16xi32>
      %xor3A_237 = arith.xori %iota3A, %xor3A_236 : vector<16xi32>
      %broadcast_in_dim3A_238 = vector.shape_cast %xor3A_237 : vector<16xi32> to vector<16x1xi32>
      %gather3A_239 = vector.shape_cast %broadcast_in_dim3A_238 : vector<16x1xi32> to vector<16xi32>
      %gather3A_240 = tpu.dynamic_gather %select_n3A_234[%gather3A_239] in [0] : vector<16xi32>, vector<16xi32> -> vector<16xi32>
      %and3A_241 = arith.constant 4 : i32
      %and3A_242 = vector.broadcast %and3A_241 : i32 to vector<16xi32>
      %and3A_243 = arith.andi %iota3A, %and3A_242 : vector<16xi32>
      %eq3A_244 = arith.constant 0 : i32
      %eq3A_245 = vector.broadcast %eq3A_244 : i32 to vector<16xi32>
      %eq3A_246 = arith.cmpi eq, %and3A_243, %eq3A_245 : vector<16xi32>
      %max3A_247 = arith.maxsi %select_n3A_234, %gather3A_240 : vector<16xi32>
      %min3A_248 = arith.minsi %select_n3A_234, %gather3A_240 : vector<16xi32>
      %select_n3A_249 = arith.select %eq3A_246, %max3A_247, %min3A_248 : vector<16xi1>, vector<16xi32>
      %xor3A_250 = arith.constant 2 : i32
      %xor3A_251 = vector.broadcast %xor3A_250 : i32 to vector<16xi32>
      %xor3A_252 = arith.xori %iota3A, %xor3A_251 : vector<16xi32>
      %broadcast_in_dim3A_253 = vector.shape_cast %xor3A_252 : vector<16xi32> to vector<16x1xi32>
      %gather3A_254 = vector.shape_cast %broadcast_in_dim3A_253 : vector<16x1xi32> to vector<16xi32>
      %gather3A_255 = tpu.dynamic_gather %select_n3A_249[%gather3A_254] in [0] : vector<16xi32>, vector<16xi32> -> vector<16xi32>
      %and3A_256 = arith.constant 2 : i32
      %and3A_257 = vector.broadcast %and3A_256 : i32 to vector<16xi32>
      %and3A_258 = arith.andi %iota3A, %and3A_257 : vector<16xi32>
      %eq3A_259 = arith.constant 0 : i32
      %eq3A_260 = vector.broadcast %eq3A_259 : i32 to vector<16xi32>
      %eq3A_261 = arith.cmpi eq, %and3A_258, %eq3A_260 : vector<16xi32>
      %max3A_262 = arith.maxsi %select_n3A_249, %gather3A_255 : vector<16xi32>
      %min3A_263 = arith.minsi %select_n3A_249, %gather3A_255 : vector<16xi32>
      %select_n3A_264 = arith.select %eq3A_261, %max3A_262, %min3A_263 : vector<16xi1>, vector<16xi32>
      %xor3A_265 = arith.constant 1 : i32
      %xor3A_266 = vector.broadcast %xor3A_265 : i32 to vector<16xi32>
      %xor3A_267 = arith.xori %iota3A, %xor3A_266 : vector<16xi32>
      %broadcast_in_dim3A_268 = vector.shape_cast %xor3A_267 : vector<16xi32> to vector<16x1xi32>
      %gather3A_269 = vector.shape_cast %broadcast_in_dim3A_268 : vector<16x1xi32> to vector<16xi32>
      %gather3A_270 = tpu.dynamic_gather %select_n3A_264[%gather3A_269] in [0] : vector<16xi32>, vector<16xi32> -> vector<16xi32>
      %and3A_271 = arith.constant 1 : i32
      %and3A_272 = vector.broadcast %and3A_271 : i32 to vector<16xi32>
      %and3A_273 = arith.andi %iota3A, %and3A_272 : vector<16xi32>
      %eq3A_274 = arith.constant 0 : i32
      %eq3A_275 = vector.broadcast %eq3A_274 : i32 to vector<16xi32>
      %eq3A_276 = arith.cmpi eq, %and3A_273, %eq3A_275 : vector<16xi32>
      %max3A_277 = arith.maxsi %select_n3A_264, %gather3A_270 : vector<16xi32>
      %min3A_278 = arith.minsi %select_n3A_264, %gather3A_270 : vector<16xi32>
      %select_n3A_279 = arith.select %eq3A_276, %max3A_277, %min3A_278 : vector<16xi1>, vector<16xi32>
      %rev3A_280 = arith.constant 15 : i32
      %rev3A_281 = vector.broadcast %rev3A_280 : i32 to vector<16xi32>
      %rev3A_282 = tpu.iota {dimensions = array<i32: 0>} : vector<16xi32>
      %rev3A_283 = arith.subi %rev3A_281, %rev3A_282 : vector<16xi32>
      %rev3A_284 = tpu.dynamic_gather %select_n3A_279[%rev3A_283] in [0] : vector<16xi32>, vector<16xi32> -> vector<16xi32>
      %max3A_285 = arith.maxsi %select_n3A_213, %rev3A_284 : vector<16xi32>
      %xor3A_286 = arith.constant 8 : i32
      %xor3A_287 = vector.broadcast %xor3A_286 : i32 to vector<16xi32>
      %xor3A_288 = arith.xori %iota3A, %xor3A_287 : vector<16xi32>
      %broadcast_in_dim3A_289 = vector.shape_cast %xor3A_288 : vector<16xi32> to vector<16x1xi32>
      %gather3A_290 = vector.shape_cast %broadcast_in_dim3A_289 : vector<16x1xi32> to vector<16xi32>
      %gather3A_291 = tpu.dynamic_gather %max3A_285[%gather3A_290] in [0] : vector<16xi32>, vector<16xi32> -> vector<16xi32>
      %and3A_292 = arith.constant 8 : i32
      %and3A_293 = vector.broadcast %and3A_292 : i32 to vector<16xi32>
      %and3A_294 = arith.andi %iota3A, %and3A_293 : vector<16xi32>
      %eq3A_295 = arith.constant 0 : i32
      %eq3A_296 = vector.broadcast %eq3A_295 : i32 to vector<16xi32>
      %eq3A_297 = arith.cmpi eq, %and3A_294, %eq3A_296 : vector<16xi32>
      %max3A_298 = arith.maxsi %max3A_285, %gather3A_291 : vector<16xi32>
      %min3A_299 = arith.minsi %max3A_285, %gather3A_291 : vector<16xi32>
      %select_n3A_300 = arith.select %eq3A_297, %max3A_298, %min3A_299 : vector<16xi1>, vector<16xi32>
      %xor3A_301 = arith.constant 4 : i32
      %xor3A_302 = vector.broadcast %xor3A_301 : i32 to vector<16xi32>
      %xor3A_303 = arith.xori %iota3A, %xor3A_302 : vector<16xi32>
      %broadcast_in_dim3A_304 = vector.shape_cast %xor3A_303 : vector<16xi32> to vector<16x1xi32>
      %gather3A_305 = vector.shape_cast %broadcast_in_dim3A_304 : vector<16x1xi32> to vector<16xi32>
      %gather3A_306 = tpu.dynamic_gather %select_n3A_300[%gather3A_305] in [0] : vector<16xi32>, vector<16xi32> -> vector<16xi32>
      %and3A_307 = arith.constant 4 : i32
      %and3A_308 = vector.broadcast %and3A_307 : i32 to vector<16xi32>
      %and3A_309 = arith.andi %iota3A, %and3A_308 : vector<16xi32>
      %eq3A_310 = arith.constant 0 : i32
      %eq3A_311 = vector.broadcast %eq3A_310 : i32 to vector<16xi32>
      %eq3A_312 = arith.cmpi eq, %and3A_309, %eq3A_311 : vector<16xi32>
      %max3A_313 = arith.maxsi %select_n3A_300, %gather3A_306 : vector<16xi32>
      %min3A_314 = arith.minsi %select_n3A_300, %gather3A_306 : vector<16xi32>
      %select_n3A_315 = arith.select %eq3A_312, %max3A_313, %min3A_314 : vector<16xi1>, vector<16xi32>
      %xor3A_316 = arith.constant 2 : i32
      %xor3A_317 = vector.broadcast %xor3A_316 : i32 to vector<16xi32>
      %xor3A_318 = arith.xori %iota3A, %xor3A_317 : vector<16xi32>
      %broadcast_in_dim3A_319 = vector.shape_cast %xor3A_318 : vector<16xi32> to vector<16x1xi32>
      %gather3A_320 = vector.shape_cast %broadcast_in_dim3A_319 : vector<16x1xi32> to vector<16xi32>
      %gather3A_321 = tpu.dynamic_gather %select_n3A_315[%gather3A_320] in [0] : vector<16xi32>, vector<16xi32> -> vector<16xi32>
      %and3A_322 = arith.constant 2 : i32
      %and3A_323 = vector.broadcast %and3A_322 : i32 to vector<16xi32>
      %and3A_324 = arith.andi %iota3A, %and3A_323 : vector<16xi32>
      %eq3A_325 = arith.constant 0 : i32
      %eq3A_326 = vector.broadcast %eq3A_325 : i32 to vector<16xi32>
      %eq3A_327 = arith.cmpi eq, %and3A_324, %eq3A_326 : vector<16xi32>
      %max3A_328 = arith.maxsi %select_n3A_315, %gather3A_321 : vector<16xi32>
      %min3A_329 = arith.minsi %select_n3A_315, %gather3A_321 : vector<16xi32>
      %select_n3A_330 = arith.select %eq3A_327, %max3A_328, %min3A_329 : vector<16xi1>, vector<16xi32>
      %xor3A_331 = arith.constant 1 : i32
      %xor3A_332 = vector.broadcast %xor3A_331 : i32 to vector<16xi32>
      %xor3A_333 = arith.xori %iota3A, %xor3A_332 : vector<16xi32>
      %broadcast_in_dim3A_334 = vector.shape_cast %xor3A_333 : vector<16xi32> to vector<16x1xi32>
      %gather3A_335 = vector.shape_cast %broadcast_in_dim3A_334 : vector<16x1xi32> to vector<16xi32>
      %gather3A_336 = tpu.dynamic_gather %select_n3A_330[%gather3A_335] in [0] : vector<16xi32>, vector<16xi32> -> vector<16xi32>
      %and3A_337 = arith.constant 1 : i32
      %and3A_338 = vector.broadcast %and3A_337 : i32 to vector<16xi32>
      %and3A_339 = arith.andi %iota3A, %and3A_338 : vector<16xi32>
      %eq3A_340 = arith.constant 0 : i32
      %eq3A_341 = vector.broadcast %eq3A_340 : i32 to vector<16xi32>
      %eq3A_342 = arith.cmpi eq, %and3A_339, %eq3A_341 : vector<16xi32>
      %max3A_343 = arith.maxsi %select_n3A_330, %gather3A_336 : vector<16xi32>
      %min3A_344 = arith.minsi %select_n3A_330, %gather3A_336 : vector<16xi32>
      %select_n3A_345 = arith.select %eq3A_342, %max3A_343, %min3A_344 : vector<16xi1>, vector<16xi32>
      %and3A_346 = arith.constant 63 : i32
      %and3A_347 = vector.broadcast %and3A_346 : i32 to vector<16xi32>
      %and3A_348 = arith.andi %select_n3A_345, %and3A_347 : vector<16xi32>
      %sub3A_349 = arith.constant 63 : i32
      %sub3A_350 = vector.broadcast %sub3A_349 : i32 to vector<16xi32>
      %sub3A_351 = arith.subi %sub3A_350, %and3A_348 : vector<16xi32>
      %and3A_352 = vector.broadcast %scan3A : i32 to vector<16xi32>
      %and3A_353 = arith.andi %select_n3A_345, %and3A_352 : vector<16xi32>
      %lt3A_354 = arith.constant 0 : i32
      %lt3A_355 = vector.broadcast %lt3A_354 : i32 to vector<16xi32>
      %lt3A_356 = arith.cmpi slt, %and3A_353, %lt3A_355 : vector<16xi32>
      %xor3A_357 = arith.constant 2147483647 : i32
      %xor3A_358 = vector.broadcast %xor3A_357 : i32 to vector<16xi32>
      %xor3A_359 = arith.xori %and3A_353, %xor3A_358 : vector<16xi32>
      %select_n3A_360 = arith.select %lt3A_356, %xor3A_359, %and3A_353 : vector<16xi1>, vector<16xi32>
      %bitcast_convert_type3A_361 = tpu.bitcast %select_n3A_360 : vector<16xi32> -> vector<16xf32>
      %reduce_max3A = arith.constant true
      %reduce_max3A_362 = vector.broadcast %reduce_max3A : i1 to vector<16xi1>
      %reduce_max3A_363 = tpu.scan <max>, %bitcast_convert_type3A_361 masked %reduce_max3A_362 : vector<16xf32>, vector<16xi1> -> vector<16xf32>
      %reduce_max3A_364 = vector.extract %reduce_max3A_363[15] : f32 from vector<16xf32>
      %lt3A_365 = arith.constant 8 : i32
      %lt3A_366 = vector.broadcast %lt3A_365 : i32 to vector<16xi32>
      %lt3A_367 = arith.cmpi slt, %iota3A, %lt3A_366 : vector<16xi32>
      %sub3A_368 = vector.broadcast %reduce_max3A_364 : f32 to vector<16xf32>
      %sub3A_369 = arith.subf %bitcast_convert_type3A_361, %sub3A_368 : vector<16xf32>
      %exp3A = math.exp %sub3A_369 : vector<16xf32>
      %jit3A = arith.constant 0.000000e+00 : f32
      %broadcast_in_dim3A_370 = vector.broadcast %jit3A : f32 to vector<16xf32>
      %select_n3A_371 = arith.select %lt3A_367, %exp3A, %broadcast_in_dim3A_370 : vector<16xi1>, vector<16xf32>
      %reduce_sum3A = arith.constant true
      %reduce_sum3A_372 = vector.broadcast %reduce_sum3A : i1 to vector<16xi1>
      %reduce_sum3A_373 = tpu.scan <sum>, %select_n3A_371 masked %reduce_sum3A_372 : vector<16xf32>, vector<16xi1> -> vector<16xf32>
      %reduce_sum3A_374 = vector.extract %reduce_sum3A_373[15] : f32 from vector<16xf32>
      %div3A = vector.broadcast %reduce_sum3A_374 : f32 to vector<16xf32>
      %div3A_375 = arith.divf %select_n3A_371, %div3A : vector<16xf32>
      %lt3A_376 = arith.constant 8 : i32
      %lt3A_377 = vector.broadcast %lt3A_376 : i32 to vector<16xi32>
      %lt3A_378 = arith.cmpi slt, %iota3A, %lt3A_377 : vector<16xi32>
      %mul3A_379 = arith.constant 8 : i32
      %mul3A_380 = arith.muli %scan3A_44, %mul3A_379 : i32
      %swap3A_381 = arith.index_cast %mul3A_380 : i32 to index
      %swap3A_382 = tpu.vector_load %arg7[%swap3A_381] masked %lt3A_378 {strides = array<i32>} : memref<2056xf32, #tpu.memory_space<vmem>>, vector<16xf32>, vector<16xi1>
      tpu.vector_store %arg7[%swap3A_381], %div3A_375 masked %lt3A_378 {strides = array<i32>} : memref<2056xf32, #tpu.memory_space<vmem>>, vector<16xf32>, vector<16xi1>
      %mul3A_383 = arith.constant 8 : i32
      %mul3A_384 = arith.muli %scan3A_44, %mul3A_383 : i32
      %swap3A_385 = arith.index_cast %mul3A_384 : i32 to index
      %swap3A_386 = tpu.vector_load %arg8[%swap3A_385] masked %lt3A_378 {strides = array<i32>} : memref<2056xi32, #tpu.memory_space<vmem>>, vector<16xi32>, vector<16xi1>
      tpu.vector_store %arg8[%swap3A_385], %sub3A_351 masked %lt3A_378 {strides = array<i32>} : memref<2056xi32, #tpu.memory_space<vmem>>, vector<16xi32>, vector<16xi1>
      %broadcast_in_dim3A_387 = arith.constant 1.000000e+00 : f32
      %broadcast_in_dim3A_388 = vector.broadcast %broadcast_in_dim3A_387 : f32 to vector<16xf32>
      tpu.vector_store_idx %arg9[%sub3A_351], %broadcast_in_dim3A_388 masked %lt3A_378 {add = true} : memref<64xf32, #tpu.memory_space<vmem>>[vector<16xi32>], vector<16xf32>, vector<16xi1>
      %sub3A_389 = vector.broadcast %reduce_max3A_364 : f32 to vector<16xf32>
      %sub3A_390 = arith.subf %get3A_51, %sub3A_389 : vector<16xf32>
      %exp3A_391 = math.exp %sub3A_390 : vector<16xf32>
      %sub3A_392 = vector.broadcast %reduce_max3A_364 : f32 to vector<16xf32>
      %sub3A_393 = arith.subf %get3A_54, %sub3A_392 : vector<16xf32>
      %exp3A_394 = math.exp %sub3A_393 : vector<16xf32>
      %sub3A_395 = vector.broadcast %reduce_max3A_364 : f32 to vector<16xf32>
      %sub3A_396 = arith.subf %get3A_57, %sub3A_395 : vector<16xf32>
      %exp3A_397 = math.exp %sub3A_396 : vector<16xf32>
      %sub3A_398 = vector.broadcast %reduce_max3A_364 : f32 to vector<16xf32>
      %sub3A_399 = arith.subf %get3A_60, %sub3A_398 : vector<16xf32>
      %exp3A_400 = math.exp %sub3A_399 : vector<16xf32>
      %reduce_sum3A_401 = arith.constant true
      %reduce_sum3A_402 = vector.broadcast %reduce_sum3A_401 : i1 to vector<16xi1>
      %reduce_sum3A_403 = tpu.scan <sum>, %exp3A_391 masked %reduce_sum3A_402 : vector<16xf32>, vector<16xi1> -> vector<16xf32>
      %reduce_sum3A_404 = vector.extract %reduce_sum3A_403[15] : f32 from vector<16xf32>
      %reduce_sum3A_405 = arith.constant true
      %reduce_sum3A_406 = vector.broadcast %reduce_sum3A_405 : i1 to vector<16xi1>
      %reduce_sum3A_407 = tpu.scan <sum>, %exp3A_394 masked %reduce_sum3A_406 : vector<16xf32>, vector<16xi1> -> vector<16xf32>
      %reduce_sum3A_408 = vector.extract %reduce_sum3A_407[15] : f32 from vector<16xf32>
      %add3A_409 = arith.addf %reduce_sum3A_404, %reduce_sum3A_408 : f32
      %reduce_sum3A_410 = arith.constant true
      %reduce_sum3A_411 = vector.broadcast %reduce_sum3A_410 : i1 to vector<16xi1>
      %reduce_sum3A_412 = tpu.scan <sum>, %exp3A_397 masked %reduce_sum3A_411 : vector<16xf32>, vector<16xi1> -> vector<16xf32>
      %reduce_sum3A_413 = vector.extract %reduce_sum3A_412[15] : f32 from vector<16xf32>
      %add3A_414 = arith.addf %add3A_409, %reduce_sum3A_413 : f32
      %reduce_sum3A_415 = arith.constant true
      %reduce_sum3A_416 = vector.broadcast %reduce_sum3A_415 : i1 to vector<16xi1>
      %reduce_sum3A_417 = tpu.scan <sum>, %exp3A_400 masked %reduce_sum3A_416 : vector<16xf32>, vector<16xi1> -> vector<16xf32>
      %reduce_sum3A_418 = vector.extract %reduce_sum3A_417[15] : f32 from vector<16xf32>
      %add3A_419 = arith.addf %add3A_414, %reduce_sum3A_418 : f32
      %div3A_420 = vector.broadcast %add3A_419 : f32 to vector<16xf32>
      %div3A_421 = arith.divf %exp3A_391, %div3A_420 : vector<16xf32>
      %add3A_422 = arith.addf %scan3A_45, %div3A_421 : vector<16xf32>
      %div3A_423 = vector.broadcast %add3A_419 : f32 to vector<16xf32>
      %div3A_424 = arith.divf %exp3A_394, %div3A_423 : vector<16xf32>
      %add3A_425 = arith.addf %scan3A_46, %div3A_424 : vector<16xf32>
      %div3A_426 = vector.broadcast %add3A_419 : f32 to vector<16xf32>
      %div3A_427 = arith.divf %exp3A_397, %div3A_426 : vector<16xf32>
      %add3A_428 = arith.addf %scan3A_47, %div3A_427 : vector<16xf32>
      %div3A_429 = vector.broadcast %add3A_419 : f32 to vector<16xf32>
      %div3A_430 = arith.divf %exp3A_400, %div3A_429 : vector<16xf32>
      %add3A_431 = arith.addf %scan3A_48, %div3A_430 : vector<16xf32>
      scf.yield %add3A_422, %add3A_425, %add3A_428, %add3A_431 : vector<16xf32>, vector<16xf32>, vector<16xf32>, vector<16xf32>
    }
    %scan3A_16 = arith.constant 256 : i32
    %mul3A_17 = arith.constant 8 : i32
    %mul3A_18 = arith.muli %mul3A_2, %mul3A_17 : i32
    "tpu.region"() ({
      %run_scoped3A = tpu.sem_alloc : memref<!tpu.dma_semaphore, #tpu.memory_space<semaphore_mem>>
      %dma_start3A = arith.constant 0 : i32
      %dma_start3A_44 = tpu.memref_slice %arg7[%dma_start3A] : memref<2056xf32, #tpu.memory_space<vmem>> -> memref<2048xf32, #tpu.memory_space<vmem>>
      %dma_start3A_45 = tpu.memref_slice %arg3[%mul3A_18] : memref<65536xf32, #tpu.memory_space<hbm>> -> memref<2048xf32, #tpu.memory_space<hbm>>
      %dma_start3A_46 = tpu.memref_slice %arg3[%mul3A_18] : memref<65536xf32, #tpu.memory_space<hbm>> -> memref<2048xf32, #tpu.memory_space<hbm>>
      %dma_start3A_47 = arith.constant 0 : i32
      %dma_start3A_48 = tpu.memref_slice %arg7[%dma_start3A_47] : memref<2056xf32, #tpu.memory_space<vmem>> -> memref<2048xf32, #tpu.memory_space<vmem>>
      tpu.enqueue_dma source(%dma_start3A_48 : memref<2048xf32, #tpu.memory_space<vmem>>) target(%dma_start3A_46 : memref<2048xf32, #tpu.memory_space<hbm>>) target_semaphore(%run_scoped3A : memref<!tpu.dma_semaphore, #tpu.memory_space<semaphore_mem>>)
      %dma_wait3A = arith.constant 0 : i32
      %dma_wait3A_49 = tpu.memref_slice %arg7[%dma_wait3A] : memref<2056xf32, #tpu.memory_space<vmem>> -> memref<2048xf32, #tpu.memory_space<vmem>>
      %dma_wait3A_50 = tpu.memref_slice %arg3[%mul3A_18] : memref<65536xf32, #tpu.memory_space<hbm>> -> memref<2048xf32, #tpu.memory_space<hbm>>
      %dma_wait3A_51 = tpu.memref_slice %arg3[%mul3A_18] : memref<65536xf32, #tpu.memory_space<hbm>> -> memref<2048xf32, #tpu.memory_space<hbm>>
      %dma_wait3A_52 = arith.constant 0 : i32
      %dma_wait3A_53 = tpu.memref_slice %arg7[%dma_wait3A_52] : memref<2056xf32, #tpu.memory_space<vmem>> -> memref<2048xf32, #tpu.memory_space<vmem>>
      tpu.wait_dma2 semaphore(%run_scoped3A : memref<!tpu.dma_semaphore, #tpu.memory_space<semaphore_mem>>) src(%dma_wait3A_53 : memref<2048xf32, #tpu.memory_space<vmem>>) dst(%dma_wait3A_51 : memref<2048xf32, #tpu.memory_space<hbm>>)
      tpu.yield
    }) : () -> ()
    %mul3A_19 = arith.constant 8 : i32
    %mul3A_20 = arith.muli %mul3A_2, %mul3A_19 : i32
    "tpu.region"() ({
      %run_scoped3A = tpu.sem_alloc : memref<!tpu.dma_semaphore, #tpu.memory_space<semaphore_mem>>
      %dma_start3A = arith.constant 0 : i32
      %dma_start3A_44 = tpu.memref_slice %arg8[%dma_start3A] : memref<2056xi32, #tpu.memory_space<vmem>> -> memref<2048xi32, #tpu.memory_space<vmem>>
      %dma_start3A_45 = tpu.memref_slice %arg4[%mul3A_20] : memref<65536xi32, #tpu.memory_space<hbm>> -> memref<2048xi32, #tpu.memory_space<hbm>>
      %dma_start3A_46 = tpu.memref_slice %arg4[%mul3A_20] : memref<65536xi32, #tpu.memory_space<hbm>> -> memref<2048xi32, #tpu.memory_space<hbm>>
      %dma_start3A_47 = arith.constant 0 : i32
      %dma_start3A_48 = tpu.memref_slice %arg8[%dma_start3A_47] : memref<2056xi32, #tpu.memory_space<vmem>> -> memref<2048xi32, #tpu.memory_space<vmem>>
      tpu.enqueue_dma source(%dma_start3A_48 : memref<2048xi32, #tpu.memory_space<vmem>>) target(%dma_start3A_46 : memref<2048xi32, #tpu.memory_space<hbm>>) target_semaphore(%run_scoped3A : memref<!tpu.dma_semaphore, #tpu.memory_space<semaphore_mem>>)
      %dma_wait3A = arith.constant 0 : i32
      %dma_wait3A_49 = tpu.memref_slice %arg8[%dma_wait3A] : memref<2056xi32, #tpu.memory_space<vmem>> -> memref<2048xi32, #tpu.memory_space<vmem>>
      %dma_wait3A_50 = tpu.memref_slice %arg4[%mul3A_20] : memref<65536xi32, #tpu.memory_space<hbm>> -> memref<2048xi32, #tpu.memory_space<hbm>>
      %dma_wait3A_51 = tpu.memref_slice %arg4[%mul3A_20] : memref<65536xi32, #tpu.memory_space<hbm>> -> memref<2048xi32, #tpu.memory_space<hbm>>
      %dma_wait3A_52 = arith.constant 0 : i32
      %dma_wait3A_53 = tpu.memref_slice %arg8[%dma_wait3A_52] : memref<2056xi32, #tpu.memory_space<vmem>> -> memref<2048xi32, #tpu.memory_space<vmem>>
      tpu.wait_dma2 semaphore(%run_scoped3A : memref<!tpu.dma_semaphore, #tpu.memory_space<semaphore_mem>>) src(%dma_wait3A_53 : memref<2048xi32, #tpu.memory_space<vmem>>) dst(%dma_wait3A_51 : memref<2048xi32, #tpu.memory_space<hbm>>)
      tpu.yield
    }) : () -> ()
    %get3A = arith.constant 0 : index
    %get3A_21 = tpu.vector_load %arg9[%get3A] {strides = array<i32>} : memref<64xf32, #tpu.memory_space<vmem>>, vector<16xf32>,
    %swap3A_22 = arith.constant 0 : index
    %swap3A_23 = tpu.vector_load %arg10[%swap3A_22] {strides = array<i32>} : memref<128xf32, #tpu.memory_space<vmem>>, vector<16xf32>,
    tpu.vector_store %arg10[%swap3A_22], %get3A_21 {strides = array<i32>} : memref<128xf32, #tpu.memory_space<vmem>>, vector<16xf32>,
    %swap3A_24 = arith.constant 64 : index
    %swap3A_25 = tpu.vector_load %arg10[%swap3A_24] {strides = array<i32>} : memref<128xf32, #tpu.memory_space<vmem>>, vector<16xf32>,
    tpu.vector_store %arg10[%swap3A_24], %scan3A_15#0 {strides = array<i32>} : memref<128xf32, #tpu.memory_space<vmem>>, vector<16xf32>,
    %get3A_26 = arith.constant 16 : index
    %get3A_27 = tpu.vector_load %arg9[%get3A_26] {strides = array<i32>} : memref<64xf32, #tpu.memory_space<vmem>>, vector<16xf32>,
    %swap3A_28 = arith.constant 16 : index
    %swap3A_29 = tpu.vector_load %arg10[%swap3A_28] {strides = array<i32>} : memref<128xf32, #tpu.memory_space<vmem>>, vector<16xf32>,
    tpu.vector_store %arg10[%swap3A_28], %get3A_27 {strides = array<i32>} : memref<128xf32, #tpu.memory_space<vmem>>, vector<16xf32>,
    %swap3A_30 = arith.constant 80 : index
    %swap3A_31 = tpu.vector_load %arg10[%swap3A_30] {strides = array<i32>} : memref<128xf32, #tpu.memory_space<vmem>>, vector<16xf32>,
    tpu.vector_store %arg10[%swap3A_30], %scan3A_15#1 {strides = array<i32>} : memref<128xf32, #tpu.memory_space<vmem>>, vector<16xf32>,
    %get3A_32 = arith.constant 32 : index
    %get3A_33 = tpu.vector_load %arg9[%get3A_32] {strides = array<i32>} : memref<64xf32, #tpu.memory_space<vmem>>, vector<16xf32>,
    %swap3A_34 = arith.constant 32 : index
    %swap3A_35 = tpu.vector_load %arg10[%swap3A_34] {strides = array<i32>} : memref<128xf32, #tpu.memory_space<vmem>>, vector<16xf32>,
    tpu.vector_store %arg10[%swap3A_34], %get3A_33 {strides = array<i32>} : memref<128xf32, #tpu.memory_space<vmem>>, vector<16xf32>,
    %swap3A_36 = arith.constant 96 : index
    %swap3A_37 = tpu.vector_load %arg10[%swap3A_36] {strides = array<i32>} : memref<128xf32, #tpu.memory_space<vmem>>, vector<16xf32>,
    tpu.vector_store %arg10[%swap3A_36], %scan3A_15#2 {strides = array<i32>} : memref<128xf32, #tpu.memory_space<vmem>>, vector<16xf32>,
    %get3A_38 = arith.constant 48 : index
    %get3A_39 = tpu.vector_load %arg9[%get3A_38] {strides = array<i32>} : memref<64xf32, #tpu.memory_space<vmem>>, vector<16xf32>,
    %swap3A_40 = arith.constant 48 : index
    %swap3A_41 = tpu.vector_load %arg10[%swap3A_40] {strides = array<i32>} : memref<128xf32, #tpu.memory_space<vmem>>, vector<16xf32>,
    tpu.vector_store %arg10[%swap3A_40], %get3A_39 {strides = array<i32>} : memref<128xf32, #tpu.memory_space<vmem>>, vector<16xf32>,
    %swap3A_42 = arith.constant 112 : index
    %swap3A_43 = tpu.vector_load %arg10[%swap3A_42] {strides = array<i32>} : memref<128xf32, #tpu.memory_space<vmem>>, vector<16xf32>,
    tpu.vector_store %arg10[%swap3A_42], %scan3A_15#3 {strides = array<i32>} : memref<128xf32, #tpu.memory_space<vmem>>, vector<16xf32>,
    "tpu.region"() ({
      %run_scoped3A = tpu.sem_alloc : memref<!tpu.dma_semaphore, #tpu.memory_space<semaphore_mem>>
      %dma_start3A = arith.constant 0 : i32
      %dma_start3A_44 = tpu.memref_slice %arg5[%add3A, %dma_start3A] : memref<32x128xf32, #tpu.memory_space<hbm>> -> memref<1x128xf32, #tpu.memory_space<hbm>>
      %dma_start3A_45 = tpu.memref_squeeze %dma_start3A_44 : memref<1x128xf32, #tpu.memory_space<hbm>> -> memref<128xf32, #tpu.memory_space<hbm>>
      %dma_start3A_46 = arith.constant 0 : i32
      %dma_start3A_47 = tpu.memref_slice %arg5[%add3A, %dma_start3A_46] : memref<32x128xf32, #tpu.memory_space<hbm>> -> memref<1x128xf32, #tpu.memory_space<hbm>>
      %dma_start3A_48 = tpu.memref_squeeze %dma_start3A_47 : memref<1x128xf32, #tpu.memory_space<hbm>> -> memref<128xf32, #tpu.memory_space<hbm>>
      tpu.enqueue_dma source(%arg10 : memref<128xf32, #tpu.memory_space<vmem>>) target(%dma_start3A_48 : memref<128xf32, #tpu.memory_space<hbm>>) target_semaphore(%run_scoped3A : memref<!tpu.dma_semaphore, #tpu.memory_space<semaphore_mem>>)
      %dma_wait3A = arith.constant 0 : i32
      %dma_wait3A_49 = tpu.memref_slice %arg5[%add3A, %dma_wait3A] : memref<32x128xf32, #tpu.memory_space<hbm>> -> memref<1x128xf32, #tpu.memory_space<hbm>>
      %dma_wait3A_50 = tpu.memref_squeeze %dma_wait3A_49 : memref<1x128xf32, #tpu.memory_space<hbm>> -> memref<128xf32, #tpu.memory_space<hbm>>
      %dma_wait3A_51 = arith.constant 0 : i32
      %dma_wait3A_52 = tpu.memref_slice %arg5[%add3A, %dma_wait3A_51] : memref<32x128xf32, #tpu.memory_space<hbm>> -> memref<1x128xf32, #tpu.memory_space<hbm>>
      %dma_wait3A_53 = tpu.memref_squeeze %dma_wait3A_52 : memref<1x128xf32, #tpu.memory_space<hbm>> -> memref<128xf32, #tpu.memory_space<hbm>>
      tpu.wait_dma2 semaphore(%run_scoped3A : memref<!tpu.dma_semaphore, #tpu.memory_space<semaphore_mem>>) src(%arg10 : memref<128xf32, #tpu.memory_space<vmem>>) dst(%dma_wait3A_53 : memref<128xf32, #tpu.memory_space<hbm>>)
      tpu.yield
    }) : () -> ()
    return
  }
}

#map = affine_map<(d0, d1) -> (0, 0)>
#map1 = affine_map<(d0, d1) -> (0)>
module attributes {stable_mosaic.version = 14 : i64} {
  func.func @_sc_router_body(%arg0: i32, %arg1: i32, %arg2: memref<8192x64xf32, #tpu.memory_space<hbm>>, %arg3: memref<65536xf32, #tpu.memory_space<hbm>>, %arg4: memref<65536xi32, #tpu.memory_space<hbm>>, %arg5: memref<32x128xf32, #tpu.memory_space<hbm>>, %arg6: memref<256x64xf32, #tpu.memory_space<vmem>>, %arg7: memref<2056xf32, #tpu.memory_space<vmem>>, %arg8: memref<2056xi32, #tpu.memory_space<vmem>>, %arg9: memref<64xf32, #tpu.memory_space<vmem>>, %arg10: memref<128xf32, #tpu.memory_space<vmem>>) attributes {dimension_semantics = [#tpu.dimension_semantics<core_parallel>, #tpu.dimension_semantics<subcore_parallel>], iteration_bounds = array<i64: 2, 16>, scalar_prefetch = 0 : i64, scratch_operands = 5 : i64, tpu.core_type = #tpu.core_type<sc_vector_subcore>, window_params = [{transform_indices = #map}, {transform_indices = #map1}, {transform_indices = #map1}, {transform_indices = #map}]} {
    %mul3A = arith.constant 2 : i32
    %mul3A_0 = arith.muli %arg1, %mul3A : i32
    %add3A = arith.addi %mul3A_0, %arg0 : i32
    %mul3A_1 = arith.constant 256 : i32
    %mul3A_2 = arith.muli %add3A, %mul3A_1 : i32
    %iota3A = tpu.iota {dimensions = array<i32: 0>} : vector<16xi32>
    "tpu.region"() ({
      %run_scoped3A = tpu.sem_alloc : memref<!tpu.dma_semaphore, #tpu.memory_space<semaphore_mem>>
      %dma_start3A = arith.constant 0 : i32
      %dma_start3A_44 = tpu.memref_slice %arg2[%mul3A_2, %dma_start3A] : memref<8192x64xf32, #tpu.memory_space<hbm>> -> memref<256x64xf32, #tpu.memory_space<hbm>>
      %dma_start3A_45 = arith.constant 0 : i32
      %dma_start3A_46 = tpu.memref_slice %arg2[%mul3A_2, %dma_start3A_45] : memref<8192x64xf32, #tpu.memory_space<hbm>> -> memref<256x64xf32, #tpu.memory_space<hbm>>
      tpu.enqueue_dma source(%dma_start3A_46 : memref<256x64xf32, #tpu.memory_space<hbm>>) target(%arg6 : memref<256x64xf32, #tpu.memory_space<vmem>>) target_semaphore(%run_scoped3A : memref<!tpu.dma_semaphore, #tpu.memory_space<semaphore_mem>>)
      %dma_wait3A = arith.constant 0 : i32
      %dma_wait3A_47 = tpu.memref_slice %arg2[%mul3A_2, %dma_wait3A] : memref<8192x64xf32, #tpu.memory_space<hbm>> -> memref<256x64xf32, #tpu.memory_space<hbm>>
      %dma_wait3A_48 = arith.constant 0 : i32
      %dma_wait3A_49 = tpu.memref_slice %arg2[%mul3A_2, %dma_wait3A_48] : memref<8192x64xf32, #tpu.memory_space<hbm>> -> memref<256x64xf32, #tpu.memory_space<hbm>>
      tpu.wait_dma2 semaphore(%run_scoped3A : memref<!tpu.dma_semaphore, #tpu.memory_space<semaphore_mem>>) src(%dma_wait3A_49 : memref<256x64xf32, #tpu.memory_space<hbm>>) dst(%arg6 : memref<256x64xf32, #tpu.memory_space<vmem>>)
      tpu.yield
    }) : () -> ()
    %broadcast_in_dim3A = arith.constant 0.000000e+00 : f32
    %broadcast_in_dim3A_3 = vector.broadcast %broadcast_in_dim3A : f32 to vector<16xf32>
    %swap3A = arith.constant 0 : index
    %swap3A_4 = tpu.vector_load %arg9[%swap3A] {strides = array<i32>} : memref<64xf32, #tpu.memory_space<vmem>>, vector<16xf32>,
    tpu.vector_store %arg9[%swap3A], %broadcast_in_dim3A_3 {strides = array<i32>} : memref<64xf32, #tpu.memory_space<vmem>>, vector<16xf32>,
    %swap3A_5 = arith.constant 16 : index
    %swap3A_6 = tpu.vector_load %arg9[%swap3A_5] {strides = array<i32>} : memref<64xf32, #tpu.memory_space<vmem>>, vector<16xf32>,
    tpu.vector_store %arg9[%swap3A_5], %broadcast_in_dim3A_3 {strides = array<i32>} : memref<64xf32, #tpu.memory_space<vmem>>, vector<16xf32>,
    %swap3A_7 = arith.constant 32 : index
    %swap3A_8 = tpu.vector_load %arg9[%swap3A_7] {strides = array<i32>} : memref<64xf32, #tpu.memory_space<vmem>>, vector<16xf32>,
    tpu.vector_store %arg9[%swap3A_7], %broadcast_in_dim3A_3 {strides = array<i32>} : memref<64xf32, #tpu.memory_space<vmem>>, vector<16xf32>,
    %swap3A_9 = arith.constant 48 : index
    %swap3A_10 = tpu.vector_load %arg9[%swap3A_9] {strides = array<i32>} : memref<64xf32, #tpu.memory_space<vmem>>, vector<16xf32>,
    tpu.vector_store %arg9[%swap3A_9], %broadcast_in_dim3A_3 {strides = array<i32>} : memref<64xf32, #tpu.memory_space<vmem>>, vector<16xf32>,
    %scan3A = arith.constant -64 : i32
    %scan3A_11 = arith.constant 0 : i32
    %scan3A_12 = arith.constant 256 : i32
    %scan3A_13 = arith.addi %scan3A_11, %scan3A_12 : i32
    %scan3A_14 = arith.constant 1 : i32
    %scan3A_15:4 = scf.for %scan3A_44 = %scan3A_11 to %scan3A_13 step %scan3A_14 iter_args(%scan3A_45 = %broadcast_in_dim3A_3, %scan3A_46 = %broadcast_in_dim3A_3, %scan3A_47 = %broadcast_in_dim3A_3, %scan3A_48 = %broadcast_in_dim3A_3) -> (vector<16xf32>, vector<16xf32>, vector<16xf32>, vector<16xf32>)  : i32 {
      %get3A_49 = arith.index_cast %scan3A_44 : i32 to index
      %get3A_50 = arith.constant 0 : index
      %get3A_51 = tpu.vector_load %arg6[%get3A_49, %get3A_50] {strides = array<i32>} : memref<256x64xf32, #tpu.memory_space<vmem>>, vector<16xf32>,
      %get3A_52 = arith.index_cast %scan3A_44 : i32 to index
      %get3A_53 = arith.constant 16 : index
      %get3A_54 = tpu.vector_load %arg6[%get3A_52, %get3A_53] {strides = array<i32>} : memref<256x64xf32, #tpu.memory_space<vmem>>, vector<16xf32>,
      %get3A_55 = arith.index_cast %scan3A_44 : i32 to index
      %get3A_56 = arith.constant 32 : index
      %get3A_57 = tpu.vector_load %arg6[%get3A_55, %get3A_56] {strides = array<i32>} : memref<256x64xf32, #tpu.memory_space<vmem>>, vector<16xf32>,
      %get3A_58 = arith.index_cast %scan3A_44 : i32 to index
      %get3A_59 = arith.constant 48 : index
      %get3A_60 = tpu.vector_load %arg6[%get3A_58, %get3A_59] {strides = array<i32>} : memref<256x64xf32, #tpu.memory_space<vmem>>, vector<16xf32>,
      %bitcast_convert_type3A = tpu.bitcast %get3A_51 : vector<16xf32> -> vector<16xi32>
      %lt3A = arith.constant 0 : i32
      %lt3A_61 = vector.broadcast %lt3A : i32 to vector<16xi32>
      %lt3A_62 = arith.cmpi slt, %bitcast_convert_type3A, %lt3A_61 : vector<16xi32>
      %xor3A = arith.constant 2147483647 : i32
      %xor3A_63 = vector.broadcast %xor3A : i32 to vector<16xi32>
      %xor3A_64 = arith.xori %bitcast_convert_type3A, %xor3A_63 : vector<16xi32>
      %select_n3A = arith.select %lt3A_62, %xor3A_64, %bitcast_convert_type3A : vector<16xi1>, vector<16xi32>
      %and3A = vector.broadcast %scan3A : i32 to vector<16xi32>
      %and3A_65 = arith.andi %select_n3A, %and3A : vector<16xi32>
      %add3A_66 = arith.constant 0 : i32
      %add3A_67 = vector.broadcast %add3A_66 : i32 to vector<16xi32>
      %add3A_68 = arith.addi %iota3A, %add3A_67 : vector<16xi32>
      %sub3A = arith.constant 63 : i32
      %sub3A_69 = vector.broadcast %sub3A : i32 to vector<16xi32>
      %sub3A_70 = arith.subi %sub3A_69, %add3A_68 : vector<16xi32>
      %or3A = arith.ori %and3A_65, %sub3A_70 : vector<16xi32>
      %bitcast_convert_type3A_71 = tpu.bitcast %get3A_54 : vector<16xf32> -> vector<16xi32>
      %lt3A_72 = arith.constant 0 : i32
      %lt3A_73 = vector.broadcast %lt3A_72 : i32 to vector<16xi32>
      %lt3A_74 = arith.cmpi slt, %bitcast_convert_type3A_71, %lt3A_73 : vector<16xi32>
      %xor3A_75 = arith.constant 2147483647 : i32
      %xor3A_76 = vector.broadcast %xor3A_75 : i32 to vector<16xi32>
      %xor3A_77 = arith.xori %bitcast_convert_type3A_71, %xor3A_76 : vector<16xi32>
      %select_n3A_78 = arith.select %lt3A_74, %xor3A_77, %bitcast_convert_type3A_71 : vector<16xi1>, vector<16xi32>
      %and3A_79 = vector.broadcast %scan3A : i32 to vector<16xi32>
      %and3A_80 = arith.andi %select_n3A_78, %and3A_79 : vector<16xi32>
      %add3A_81 = arith.constant 16 : i32
      %add3A_82 = vector.broadcast %add3A_81 : i32 to vector<16xi32>
      %add3A_83 = arith.addi %iota3A, %add3A_82 : vector<16xi32>
      %sub3A_84 = arith.constant 63 : i32
      %sub3A_85 = vector.broadcast %sub3A_84 : i32 to vector<16xi32>
      %sub3A_86 = arith.subi %sub3A_85, %add3A_83 : vector<16xi32>
      %or3A_87 = arith.ori %and3A_80, %sub3A_86 : vector<16xi32>
      %bitcast_convert_type3A_88 = tpu.bitcast %get3A_57 : vector<16xf32> -> vector<16xi32>
      %lt3A_89 = arith.constant 0 : i32
      %lt3A_90 = vector.broadcast %lt3A_89 : i32 to vector<16xi32>
      %lt3A_91 = arith.cmpi slt, %bitcast_convert_type3A_88, %lt3A_90 : vector<16xi32>
      %xor3A_92 = arith.constant 2147483647 : i32
      %xor3A_93 = vector.broadcast %xor3A_92 : i32 to vector<16xi32>
      %xor3A_94 = arith.xori %bitcast_convert_type3A_88, %xor3A_93 : vector<16xi32>
      %select_n3A_95 = arith.select %lt3A_91, %xor3A_94, %bitcast_convert_type3A_88 : vector<16xi1>, vector<16xi32>
      %and3A_96 = vector.broadcast %scan3A : i32 to vector<16xi32>
      %and3A_97 = arith.andi %select_n3A_95, %and3A_96 : vector<16xi32>
      %add3A_98 = arith.constant 32 : i32
      %add3A_99 = vector.broadcast %add3A_98 : i32 to vector<16xi32>
      %add3A_100 = arith.addi %iota3A, %add3A_99 : vector<16xi32>
      %sub3A_101 = arith.constant 63 : i32
      %sub3A_102 = vector.broadcast %sub3A_101 : i32 to vector<16xi32>
      %sub3A_103 = arith.subi %sub3A_102, %add3A_100 : vector<16xi32>
      %or3A_104 = arith.ori %and3A_97, %sub3A_103 : vector<16xi32>
      %bitcast_convert_type3A_105 = tpu.bitcast %get3A_60 : vector<16xf32> -> vector<16xi32>
      %lt3A_106 = arith.constant 0 : i32
      %lt3A_107 = vector.broadcast %lt3A_106 : i32 to vector<16xi32>
      %lt3A_108 = arith.cmpi slt, %bitcast_convert_type3A_105, %lt3A_107 : vector<16xi32>
      %xor3A_109 = arith.constant 2147483647 : i32
      %xor3A_110 = vector.broadcast %xor3A_109 : i32 to vector<16xi32>
      %xor3A_111 = arith.xori %bitcast_convert_type3A_105, %xor3A_110 : vector<16xi32>
      %select_n3A_112 = arith.select %lt3A_108, %xor3A_111, %bitcast_convert_type3A_105 : vector<16xi1>, vector<16xi32>
      %and3A_113 = vector.broadcast %scan3A : i32 to vector<16xi32>
      %and3A_114 = arith.andi %select_n3A_112, %and3A_113 : vector<16xi32>
      %add3A_115 = arith.constant 48 : i32
      %add3A_116 = vector.broadcast %add3A_115 : i32 to vector<16xi32>
      %add3A_117 = arith.addi %iota3A, %add3A_116 : vector<16xi32>
      %sub3A_118 = arith.constant 63 : i32
      %sub3A_119 = vector.broadcast %sub3A_118 : i32 to vector<16xi32>
      %sub3A_120 = arith.subi %sub3A_119, %add3A_117 : vector<16xi32>
      %or3A_121 = arith.ori %and3A_114, %sub3A_120 : vector<16xi32>
      %masked_sort3A = arith.constant dense<true> : vector<16xi1>
      %masked_sort3A_122 = arith.constant -2147483648 : i32
      %masked_sort3A_123 = vector.broadcast %masked_sort3A_122 : i32 to vector<16xi32>
      %masked_sort3A_124 = arith.xori %or3A, %masked_sort3A_123 : vector<16xi32>
      %masked_sort3A_125, %masked_sort3A_126, %masked_sort3A_127 = tpu.sort %masked_sort3A_124, %or3A masked %masked_sort3A {descending = true} : (vector<16xi32>, vector<16xi32>, vector<16xi1>) -> (vector<16xi1>, vector<16xi32>, vector<16xi32>)
      %masked_sort3A_128 = arith.xori %masked_sort3A_126, %masked_sort3A_123 : vector<16xi32>
      %masked_sort3A_129 = arith.constant dense<true> : vector<16xi1>
      %masked_sort3A_130 = arith.constant -2147483648 : i32
      %masked_sort3A_131 = vector.broadcast %masked_sort3A_130 : i32 to vector<16xi32>
      %masked_sort3A_132 = arith.xori %or3A_87, %masked_sort3A_131 : vector<16xi32>
      %masked_sort3A_133, %masked_sort3A_134, %masked_sort3A_135 = tpu.sort %masked_sort3A_132, %or3A_87 masked %masked_sort3A_129 {descending = true} : (vector<16xi32>, vector<16xi32>, vector<16xi1>) -> (vector<16xi1>, vector<16xi32>, vector<16xi32>)
      %masked_sort3A_136 = arith.xori %masked_sort3A_134, %masked_sort3A_131 : vector<16xi32>
      %masked_sort3A_137 = arith.constant dense<true> : vector<16xi1>
      %masked_sort3A_138 = arith.constant -2147483648 : i32
      %masked_sort3A_139 = vector.broadcast %masked_sort3A_138 : i32 to vector<16xi32>
      %masked_sort3A_140 = arith.xori %or3A_104, %masked_sort3A_139 : vector<16xi32>
      %masked_sort3A_141, %masked_sort3A_142, %masked_sort3A_143 = tpu.sort %masked_sort3A_140, %or3A_104 masked %masked_sort3A_137 {descending = true} : (vector<16xi32>, vector<16xi32>, vector<16xi1>) -> (vector<16xi1>, vector<16xi32>, vector<16xi32>)
      %masked_sort3A_144 = arith.xori %masked_sort3A_142, %masked_sort3A_139 : vector<16xi32>
      %masked_sort3A_145 = arith.constant dense<true> : vector<16xi1>
      %masked_sort3A_146 = arith.constant -2147483648 : i32
      %masked_sort3A_147 = vector.broadcast %masked_sort3A_146 : i32 to vector<16xi32>
      %masked_sort3A_148 = arith.xori %or3A_121, %masked_sort3A_147 : vector<16xi32>
      %masked_sort3A_149, %masked_sort3A_150, %masked_sort3A_151 = tpu.sort %masked_sort3A_148, %or3A_121 masked %masked_sort3A_145 {descending = true} : (vector<16xi32>, vector<16xi32>, vector<16xi1>) -> (vector<16xi1>, vector<16xi32>, vector<16xi32>)
      %masked_sort3A_152 = arith.xori %masked_sort3A_150, %masked_sort3A_147 : vector<16xi32>
      %rev3A = arith.constant 15 : i32
      %rev3A_153 = vector.broadcast %rev3A : i32 to vector<16xi32>
      %rev3A_154 = tpu.iota {dimensions = array<i32: 0>} : vector<16xi32>
      %rev3A_155 = arith.subi %rev3A_153, %rev3A_154 : vector<16xi32>
      %rev3A_156 = tpu.dynamic_gather %masked_sort3A_136[%rev3A_155] in [0] : vector<16xi32>, vector<16xi32> -> vector<16xi32>
      %max3A = arith.maxsi %masked_sort3A_128, %rev3A_156 : vector<16xi32>
      %xor3A_157 = arith.constant 8 : i32
      %xor3A_158 = vector.broadcast %xor3A_157 : i32 to vector<16xi32>
      %xor3A_159 = arith.xori %iota3A, %xor3A_158 : vector<16xi32>
      %broadcast_in_dim3A_160 = vector.shape_cast %xor3A_159 : vector<16xi32> to vector<16x1xi32>
      %gather3A = vector.shape_cast %broadcast_in_dim3A_160 : vector<16x1xi32> to vector<16xi32>
      %gather3A_161 = tpu.dynamic_gather %max3A[%gather3A] in [0] : vector<16xi32>, vector<16xi32> -> vector<16xi32>
      %and3A_162 = arith.constant 8 : i32
      %and3A_163 = vector.broadcast %and3A_162 : i32 to vector<16xi32>
      %and3A_164 = arith.andi %iota3A, %and3A_163 : vector<16xi32>
      %eq3A = arith.constant 0 : i32
      %eq3A_165 = vector.broadcast %eq3A : i32 to vector<16xi32>
      %eq3A_166 = arith.cmpi eq, %and3A_164, %eq3A_165 : vector<16xi32>
      %max3A_167 = arith.maxsi %max3A, %gather3A_161 : vector<16xi32>
      %min3A = arith.minsi %max3A, %gather3A_161 : vector<16xi32>
      %select_n3A_168 = arith.select %eq3A_166, %max3A_167, %min3A : vector<16xi1>, vector<16xi32>
      %xor3A_169 = arith.constant 4 : i32
      %xor3A_170 = vector.broadcast %xor3A_169 : i32 to vector<16xi32>
      %xor3A_171 = arith.xori %iota3A, %xor3A_170 : vector<16xi32>
      %broadcast_in_dim3A_172 = vector.shape_cast %xor3A_171 : vector<16xi32> to vector<16x1xi32>
      %gather3A_173 = vector.shape_cast %broadcast_in_dim3A_172 : vector<16x1xi32> to vector<16xi32>
      %gather3A_174 = tpu.dynamic_gather %select_n3A_168[%gather3A_173] in [0] : vector<16xi32>, vector<16xi32> -> vector<16xi32>
      %and3A_175 = arith.constant 4 : i32
      %and3A_176 = vector.broadcast %and3A_175 : i32 to vector<16xi32>
      %and3A_177 = arith.andi %iota3A, %and3A_176 : vector<16xi32>
      %eq3A_178 = arith.constant 0 : i32
      %eq3A_179 = vector.broadcast %eq3A_178 : i32 to vector<16xi32>
      %eq3A_180 = arith.cmpi eq, %and3A_177, %eq3A_179 : vector<16xi32>
      %max3A_181 = arith.maxsi %select_n3A_168, %gather3A_174 : vector<16xi32>
      %min3A_182 = arith.minsi %select_n3A_168, %gather3A_174 : vector<16xi32>
      %select_n3A_183 = arith.select %eq3A_180, %max3A_181, %min3A_182 : vector<16xi1>, vector<16xi32>
      %xor3A_184 = arith.constant 2 : i32
      %xor3A_185 = vector.broadcast %xor3A_184 : i32 to vector<16xi32>
      %xor3A_186 = arith.xori %iota3A, %xor3A_185 : vector<16xi32>
      %broadcast_in_dim3A_187 = vector.shape_cast %xor3A_186 : vector<16xi32> to vector<16x1xi32>
      %gather3A_188 = vector.shape_cast %broadcast_in_dim3A_187 : vector<16x1xi32> to vector<16xi32>
      %gather3A_189 = tpu.dynamic_gather %select_n3A_183[%gather3A_188] in [0] : vector<16xi32>, vector<16xi32> -> vector<16xi32>
      %and3A_190 = arith.constant 2 : i32
      %and3A_191 = vector.broadcast %and3A_190 : i32 to vector<16xi32>
      %and3A_192 = arith.andi %iota3A, %and3A_191 : vector<16xi32>
      %eq3A_193 = arith.constant 0 : i32
      %eq3A_194 = vector.broadcast %eq3A_193 : i32 to vector<16xi32>
      %eq3A_195 = arith.cmpi eq, %and3A_192, %eq3A_194 : vector<16xi32>
      %max3A_196 = arith.maxsi %select_n3A_183, %gather3A_189 : vector<16xi32>
      %min3A_197 = arith.minsi %select_n3A_183, %gather3A_189 : vector<16xi32>
      %select_n3A_198 = arith.select %eq3A_195, %max3A_196, %min3A_197 : vector<16xi1>, vector<16xi32>
      %xor3A_199 = arith.constant 1 : i32
      %xor3A_200 = vector.broadcast %xor3A_199 : i32 to vector<16xi32>
      %xor3A_201 = arith.xori %iota3A, %xor3A_200 : vector<16xi32>
      %broadcast_in_dim3A_202 = vector.shape_cast %xor3A_201 : vector<16xi32> to vector<16x1xi32>
      %gather3A_203 = vector.shape_cast %broadcast_in_dim3A_202 : vector<16x1xi32> to vector<16xi32>
      %gather3A_204 = tpu.dynamic_gather %select_n3A_198[%gather3A_203] in [0] : vector<16xi32>, vector<16xi32> -> vector<16xi32>
      %and3A_205 = arith.constant 1 : i32
      %and3A_206 = vector.broadcast %and3A_205 : i32 to vector<16xi32>
      %and3A_207 = arith.andi %iota3A, %and3A_206 : vector<16xi32>
      %eq3A_208 = arith.constant 0 : i32
      %eq3A_209 = vector.broadcast %eq3A_208 : i32 to vector<16xi32>
      %eq3A_210 = arith.cmpi eq, %and3A_207, %eq3A_209 : vector<16xi32>
      %max3A_211 = arith.maxsi %select_n3A_198, %gather3A_204 : vector<16xi32>
      %min3A_212 = arith.minsi %select_n3A_198, %gather3A_204 : vector<16xi32>
      %select_n3A_213 = arith.select %eq3A_210, %max3A_211, %min3A_212 : vector<16xi1>, vector<16xi32>
      %rev3A_214 = arith.constant 15 : i32
      %rev3A_215 = vector.broadcast %rev3A_214 : i32 to vector<16xi32>
      %rev3A_216 = tpu.iota {dimensions = array<i32: 0>} : vector<16xi32>
      %rev3A_217 = arith.subi %rev3A_215, %rev3A_216 : vector<16xi32>
      %rev3A_218 = tpu.dynamic_gather %masked_sort3A_152[%rev3A_217] in [0] : vector<16xi32>, vector<16xi32> -> vector<16xi32>
      %max3A_219 = arith.maxsi %masked_sort3A_144, %rev3A_218 : vector<16xi32>
      %xor3A_220 = arith.constant 8 : i32
      %xor3A_221 = vector.broadcast %xor3A_220 : i32 to vector<16xi32>
      %xor3A_222 = arith.xori %iota3A, %xor3A_221 : vector<16xi32>
      %broadcast_in_dim3A_223 = vector.shape_cast %xor3A_222 : vector<16xi32> to vector<16x1xi32>
      %gather3A_224 = vector.shape_cast %broadcast_in_dim3A_223 : vector<16x1xi32> to vector<16xi32>
      %gather3A_225 = tpu.dynamic_gather %max3A_219[%gather3A_224] in [0] : vector<16xi32>, vector<16xi32> -> vector<16xi32>
      %and3A_226 = arith.constant 8 : i32
      %and3A_227 = vector.broadcast %and3A_226 : i32 to vector<16xi32>
      %and3A_228 = arith.andi %iota3A, %and3A_227 : vector<16xi32>
      %eq3A_229 = arith.constant 0 : i32
      %eq3A_230 = vector.broadcast %eq3A_229 : i32 to vector<16xi32>
      %eq3A_231 = arith.cmpi eq, %and3A_228, %eq3A_230 : vector<16xi32>
      %max3A_232 = arith.maxsi %max3A_219, %gather3A_225 : vector<16xi32>
      %min3A_233 = arith.minsi %max3A_219, %gather3A_225 : vector<16xi32>
      %select_n3A_234 = arith.select %eq3A_231, %max3A_232, %min3A_233 : vector<16xi1>, vector<16xi32>
      %xor3A_235 = arith.constant 4 : i32
      %xor3A_236 = vector.broadcast %xor3A_235 : i32 to vector<16xi32>
      %xor3A_237 = arith.xori %iota3A, %xor3A_236 : vector<16xi32>
      %broadcast_in_dim3A_238 = vector.shape_cast %xor3A_237 : vector<16xi32> to vector<16x1xi32>
      %gather3A_239 = vector.shape_cast %broadcast_in_dim3A_238 : vector<16x1xi32> to vector<16xi32>
      %gather3A_240 = tpu.dynamic_gather %select_n3A_234[%gather3A_239] in [0] : vector<16xi32>, vector<16xi32> -> vector<16xi32>
      %and3A_241 = arith.constant 4 : i32
      %and3A_242 = vector.broadcast %and3A_241 : i32 to vector<16xi32>
      %and3A_243 = arith.andi %iota3A, %and3A_242 : vector<16xi32>
      %eq3A_244 = arith.constant 0 : i32
      %eq3A_245 = vector.broadcast %eq3A_244 : i32 to vector<16xi32>
      %eq3A_246 = arith.cmpi eq, %and3A_243, %eq3A_245 : vector<16xi32>
      %max3A_247 = arith.maxsi %select_n3A_234, %gather3A_240 : vector<16xi32>
      %min3A_248 = arith.minsi %select_n3A_234, %gather3A_240 : vector<16xi32>
      %select_n3A_249 = arith.select %eq3A_246, %max3A_247, %min3A_248 : vector<16xi1>, vector<16xi32>
      %xor3A_250 = arith.constant 2 : i32
      %xor3A_251 = vector.broadcast %xor3A_250 : i32 to vector<16xi32>
      %xor3A_252 = arith.xori %iota3A, %xor3A_251 : vector<16xi32>
      %broadcast_in_dim3A_253 = vector.shape_cast %xor3A_252 : vector<16xi32> to vector<16x1xi32>
      %gather3A_254 = vector.shape_cast %broadcast_in_dim3A_253 : vector<16x1xi32> to vector<16xi32>
      %gather3A_255 = tpu.dynamic_gather %select_n3A_249[%gather3A_254] in [0] : vector<16xi32>, vector<16xi32> -> vector<16xi32>
      %and3A_256 = arith.constant 2 : i32
      %and3A_257 = vector.broadcast %and3A_256 : i32 to vector<16xi32>
      %and3A_258 = arith.andi %iota3A, %and3A_257 : vector<16xi32>
      %eq3A_259 = arith.constant 0 : i32
      %eq3A_260 = vector.broadcast %eq3A_259 : i32 to vector<16xi32>
      %eq3A_261 = arith.cmpi eq, %and3A_258, %eq3A_260 : vector<16xi32>
      %max3A_262 = arith.maxsi %select_n3A_249, %gather3A_255 : vector<16xi32>
      %min3A_263 = arith.minsi %select_n3A_249, %gather3A_255 : vector<16xi32>
      %select_n3A_264 = arith.select %eq3A_261, %max3A_262, %min3A_263 : vector<16xi1>, vector<16xi32>
      %xor3A_265 = arith.constant 1 : i32
      %xor3A_266 = vector.broadcast %xor3A_265 : i32 to vector<16xi32>
      %xor3A_267 = arith.xori %iota3A, %xor3A_266 : vector<16xi32>
      %broadcast_in_dim3A_268 = vector.shape_cast %xor3A_267 : vector<16xi32> to vector<16x1xi32>
      %gather3A_269 = vector.shape_cast %broadcast_in_dim3A_268 : vector<16x1xi32> to vector<16xi32>
      %gather3A_270 = tpu.dynamic_gather %select_n3A_264[%gather3A_269] in [0] : vector<16xi32>, vector<16xi32> -> vector<16xi32>
      %and3A_271 = arith.constant 1 : i32
      %and3A_272 = vector.broadcast %and3A_271 : i32 to vector<16xi32>
      %and3A_273 = arith.andi %iota3A, %and3A_272 : vector<16xi32>
      %eq3A_274 = arith.constant 0 : i32
      %eq3A_275 = vector.broadcast %eq3A_274 : i32 to vector<16xi32>
      %eq3A_276 = arith.cmpi eq, %and3A_273, %eq3A_275 : vector<16xi32>
      %max3A_277 = arith.maxsi %select_n3A_264, %gather3A_270 : vector<16xi32>
      %min3A_278 = arith.minsi %select_n3A_264, %gather3A_270 : vector<16xi32>
      %select_n3A_279 = arith.select %eq3A_276, %max3A_277, %min3A_278 : vector<16xi1>, vector<16xi32>
      %rev3A_280 = arith.constant 15 : i32
      %rev3A_281 = vector.broadcast %rev3A_280 : i32 to vector<16xi32>
      %rev3A_282 = tpu.iota {dimensions = array<i32: 0>} : vector<16xi32>
      %rev3A_283 = arith.subi %rev3A_281, %rev3A_282 : vector<16xi32>
      %rev3A_284 = tpu.dynamic_gather %select_n3A_279[%rev3A_283] in [0] : vector<16xi32>, vector<16xi32> -> vector<16xi32>
      %max3A_285 = arith.maxsi %select_n3A_213, %rev3A_284 : vector<16xi32>
      %xor3A_286 = arith.constant 8 : i32
      %xor3A_287 = vector.broadcast %xor3A_286 : i32 to vector<16xi32>
      %xor3A_288 = arith.xori %iota3A, %xor3A_287 : vector<16xi32>
      %broadcast_in_dim3A_289 = vector.shape_cast %xor3A_288 : vector<16xi32> to vector<16x1xi32>
      %gather3A_290 = vector.shape_cast %broadcast_in_dim3A_289 : vector<16x1xi32> to vector<16xi32>
      %gather3A_291 = tpu.dynamic_gather %max3A_285[%gather3A_290] in [0] : vector<16xi32>, vector<16xi32> -> vector<16xi32>
      %and3A_292 = arith.constant 8 : i32
      %and3A_293 = vector.broadcast %and3A_292 : i32 to vector<16xi32>
      %and3A_294 = arith.andi %iota3A, %and3A_293 : vector<16xi32>
      %eq3A_295 = arith.constant 0 : i32
      %eq3A_296 = vector.broadcast %eq3A_295 : i32 to vector<16xi32>
      %eq3A_297 = arith.cmpi eq, %and3A_294, %eq3A_296 : vector<16xi32>
      %max3A_298 = arith.maxsi %max3A_285, %gather3A_291 : vector<16xi32>
      %min3A_299 = arith.minsi %max3A_285, %gather3A_291 : vector<16xi32>
      %select_n3A_300 = arith.select %eq3A_297, %max3A_298, %min3A_299 : vector<16xi1>, vector<16xi32>
      %xor3A_301 = arith.constant 4 : i32
      %xor3A_302 = vector.broadcast %xor3A_301 : i32 to vector<16xi32>
      %xor3A_303 = arith.xori %iota3A, %xor3A_302 : vector<16xi32>
      %broadcast_in_dim3A_304 = vector.shape_cast %xor3A_303 : vector<16xi32> to vector<16x1xi32>
      %gather3A_305 = vector.shape_cast %broadcast_in_dim3A_304 : vector<16x1xi32> to vector<16xi32>
      %gather3A_306 = tpu.dynamic_gather %select_n3A_300[%gather3A_305] in [0] : vector<16xi32>, vector<16xi32> -> vector<16xi32>
      %and3A_307 = arith.constant 4 : i32
      %and3A_308 = vector.broadcast %and3A_307 : i32 to vector<16xi32>
      %and3A_309 = arith.andi %iota3A, %and3A_308 : vector<16xi32>
      %eq3A_310 = arith.constant 0 : i32
      %eq3A_311 = vector.broadcast %eq3A_310 : i32 to vector<16xi32>
      %eq3A_312 = arith.cmpi eq, %and3A_309, %eq3A_311 : vector<16xi32>
      %max3A_313 = arith.maxsi %select_n3A_300, %gather3A_306 : vector<16xi32>
      %min3A_314 = arith.minsi %select_n3A_300, %gather3A_306 : vector<16xi32>
      %select_n3A_315 = arith.select %eq3A_312, %max3A_313, %min3A_314 : vector<16xi1>, vector<16xi32>
      %xor3A_316 = arith.constant 2 : i32
      %xor3A_317 = vector.broadcast %xor3A_316 : i32 to vector<16xi32>
      %xor3A_318 = arith.xori %iota3A, %xor3A_317 : vector<16xi32>
      %broadcast_in_dim3A_319 = vector.shape_cast %xor3A_318 : vector<16xi32> to vector<16x1xi32>
      %gather3A_320 = vector.shape_cast %broadcast_in_dim3A_319 : vector<16x1xi32> to vector<16xi32>
      %gather3A_321 = tpu.dynamic_gather %select_n3A_315[%gather3A_320] in [0] : vector<16xi32>, vector<16xi32> -> vector<16xi32>
      %and3A_322 = arith.constant 2 : i32
      %and3A_323 = vector.broadcast %and3A_322 : i32 to vector<16xi32>
      %and3A_324 = arith.andi %iota3A, %and3A_323 : vector<16xi32>
      %eq3A_325 = arith.constant 0 : i32
      %eq3A_326 = vector.broadcast %eq3A_325 : i32 to vector<16xi32>
      %eq3A_327 = arith.cmpi eq, %and3A_324, %eq3A_326 : vector<16xi32>
      %max3A_328 = arith.maxsi %select_n3A_315, %gather3A_321 : vector<16xi32>
      %min3A_329 = arith.minsi %select_n3A_315, %gather3A_321 : vector<16xi32>
      %select_n3A_330 = arith.select %eq3A_327, %max3A_328, %min3A_329 : vector<16xi1>, vector<16xi32>
      %xor3A_331 = arith.constant 1 : i32
      %xor3A_332 = vector.broadcast %xor3A_331 : i32 to vector<16xi32>
      %xor3A_333 = arith.xori %iota3A, %xor3A_332 : vector<16xi32>
      %broadcast_in_dim3A_334 = vector.shape_cast %xor3A_333 : vector<16xi32> to vector<16x1xi32>
      %gather3A_335 = vector.shape_cast %broadcast_in_dim3A_334 : vector<16x1xi32> to vector<16xi32>
      %gather3A_336 = tpu.dynamic_gather %select_n3A_330[%gather3A_335] in [0] : vector<16xi32>, vector<16xi32> -> vector<16xi32>
      %and3A_337 = arith.constant 1 : i32
      %and3A_338 = vector.broadcast %and3A_337 : i32 to vector<16xi32>
      %and3A_339 = arith.andi %iota3A, %and3A_338 : vector<16xi32>
      %eq3A_340 = arith.constant 0 : i32
      %eq3A_341 = vector.broadcast %eq3A_340 : i32 to vector<16xi32>
      %eq3A_342 = arith.cmpi eq, %and3A_339, %eq3A_341 : vector<16xi32>
      %max3A_343 = arith.maxsi %select_n3A_330, %gather3A_336 : vector<16xi32>
      %min3A_344 = arith.minsi %select_n3A_330, %gather3A_336 : vector<16xi32>
      %select_n3A_345 = arith.select %eq3A_342, %max3A_343, %min3A_344 : vector<16xi1>, vector<16xi32>
      %and3A_346 = arith.constant 63 : i32
      %and3A_347 = vector.broadcast %and3A_346 : i32 to vector<16xi32>
      %and3A_348 = arith.andi %select_n3A_345, %and3A_347 : vector<16xi32>
      %sub3A_349 = arith.constant 63 : i32
      %sub3A_350 = vector.broadcast %sub3A_349 : i32 to vector<16xi32>
      %sub3A_351 = arith.subi %sub3A_350, %and3A_348 : vector<16xi32>
      %and3A_352 = vector.broadcast %scan3A : i32 to vector<16xi32>
      %and3A_353 = arith.andi %select_n3A_345, %and3A_352 : vector<16xi32>
      %lt3A_354 = arith.constant 0 : i32
      %lt3A_355 = vector.broadcast %lt3A_354 : i32 to vector<16xi32>
      %lt3A_356 = arith.cmpi slt, %and3A_353, %lt3A_355 : vector<16xi32>
      %xor3A_357 = arith.constant 2147483647 : i32
      %xor3A_358 = vector.broadcast %xor3A_357 : i32 to vector<16xi32>
      %xor3A_359 = arith.xori %and3A_353, %xor3A_358 : vector<16xi32>
      %select_n3A_360 = arith.select %lt3A_356, %xor3A_359, %and3A_353 : vector<16xi1>, vector<16xi32>
      %bitcast_convert_type3A_361 = tpu.bitcast %select_n3A_360 : vector<16xi32> -> vector<16xf32>
      %reduce_max3A = arith.constant true
      %reduce_max3A_362 = vector.broadcast %reduce_max3A : i1 to vector<16xi1>
      %reduce_max3A_363 = tpu.scan <max>, %bitcast_convert_type3A_361 masked %reduce_max3A_362 : vector<16xf32>, vector<16xi1> -> vector<16xf32>
      %reduce_max3A_364 = vector.extract %reduce_max3A_363[15] : f32 from vector<16xf32>
      %lt3A_365 = arith.constant 8 : i32
      %lt3A_366 = vector.broadcast %lt3A_365 : i32 to vector<16xi32>
      %lt3A_367 = arith.cmpi slt, %iota3A, %lt3A_366 : vector<16xi32>
      %sub3A_368 = vector.broadcast %reduce_max3A_364 : f32 to vector<16xf32>
      %sub3A_369 = arith.subf %bitcast_convert_type3A_361, %sub3A_368 : vector<16xf32>
      %exp3A = math.exp %sub3A_369 : vector<16xf32>
      %jit3A = arith.constant 0.000000e+00 : f32
      %broadcast_in_dim3A_370 = vector.broadcast %jit3A : f32 to vector<16xf32>
      %select_n3A_371 = arith.select %lt3A_367, %exp3A, %broadcast_in_dim3A_370 : vector<16xi1>, vector<16xf32>
      %reduce_sum3A = arith.constant true
      %reduce_sum3A_372 = vector.broadcast %reduce_sum3A : i1 to vector<16xi1>
      %reduce_sum3A_373 = tpu.scan <sum>, %select_n3A_371 masked %reduce_sum3A_372 : vector<16xf32>, vector<16xi1> -> vector<16xf32>
      %reduce_sum3A_374 = vector.extract %reduce_sum3A_373[15] : f32 from vector<16xf32>
      %div3A = vector.broadcast %reduce_sum3A_374 : f32 to vector<16xf32>
      %div3A_375 = arith.divf %select_n3A_371, %div3A : vector<16xf32>
      %lt3A_376 = arith.constant 8 : i32
      %lt3A_377 = vector.broadcast %lt3A_376 : i32 to vector<16xi32>
      %lt3A_378 = arith.cmpi slt, %iota3A, %lt3A_377 : vector<16xi32>
      %mul3A_379 = arith.constant 8 : i32
      %mul3A_380 = arith.muli %scan3A_44, %mul3A_379 : i32
      %swap3A_381 = arith.index_cast %mul3A_380 : i32 to index
      %swap3A_382 = tpu.vector_load %arg7[%swap3A_381] masked %lt3A_378 {strides = array<i32>} : memref<2056xf32, #tpu.memory_space<vmem>>, vector<16xf32>, vector<16xi1>
      tpu.vector_store %arg7[%swap3A_381], %div3A_375 masked %lt3A_378 {strides = array<i32>} : memref<2056xf32, #tpu.memory_space<vmem>>, vector<16xf32>, vector<16xi1>
      %mul3A_383 = arith.constant 8 : i32
      %mul3A_384 = arith.muli %scan3A_44, %mul3A_383 : i32
      %swap3A_385 = arith.index_cast %mul3A_384 : i32 to index
      %swap3A_386 = tpu.vector_load %arg8[%swap3A_385] masked %lt3A_378 {strides = array<i32>} : memref<2056xi32, #tpu.memory_space<vmem>>, vector<16xi32>, vector<16xi1>
      tpu.vector_store %arg8[%swap3A_385], %sub3A_351 masked %lt3A_378 {strides = array<i32>} : memref<2056xi32, #tpu.memory_space<vmem>>, vector<16xi32>, vector<16xi1>
      %broadcast_in_dim3A_387 = arith.constant 1.000000e+00 : f32
      %broadcast_in_dim3A_388 = vector.broadcast %broadcast_in_dim3A_387 : f32 to vector<16xf32>
      tpu.vector_store_idx %arg9[%sub3A_351], %broadcast_in_dim3A_388 masked %lt3A_378 {add = true} : memref<64xf32, #tpu.memory_space<vmem>>[vector<16xi32>], vector<16xf32>, vector<16xi1>
      %sub3A_389 = vector.broadcast %reduce_max3A_364 : f32 to vector<16xf32>
      %sub3A_390 = arith.subf %get3A_51, %sub3A_389 : vector<16xf32>
      %exp3A_391 = math.exp %sub3A_390 : vector<16xf32>
      %sub3A_392 = vector.broadcast %reduce_max3A_364 : f32 to vector<16xf32>
      %sub3A_393 = arith.subf %get3A_54, %sub3A_392 : vector<16xf32>
      %exp3A_394 = math.exp %sub3A_393 : vector<16xf32>
      %sub3A_395 = vector.broadcast %reduce_max3A_364 : f32 to vector<16xf32>
      %sub3A_396 = arith.subf %get3A_57, %sub3A_395 : vector<16xf32>
      %exp3A_397 = math.exp %sub3A_396 : vector<16xf32>
      %sub3A_398 = vector.broadcast %reduce_max3A_364 : f32 to vector<16xf32>
      %sub3A_399 = arith.subf %get3A_60, %sub3A_398 : vector<16xf32>
      %exp3A_400 = math.exp %sub3A_399 : vector<16xf32>
      %reduce_sum3A_401 = arith.constant true
      %reduce_sum3A_402 = vector.broadcast %reduce_sum3A_401 : i1 to vector<16xi1>
      %reduce_sum3A_403 = tpu.scan <sum>, %exp3A_391 masked %reduce_sum3A_402 : vector<16xf32>, vector<16xi1> -> vector<16xf32>
      %reduce_sum3A_404 = vector.extract %reduce_sum3A_403[15] : f32 from vector<16xf32>
      %reduce_sum3A_405 = arith.constant true
      %reduce_sum3A_406 = vector.broadcast %reduce_sum3A_405 : i1 to vector<16xi1>
      %reduce_sum3A_407 = tpu.scan <sum>, %exp3A_394 masked %reduce_sum3A_406 : vector<16xf32>, vector<16xi1> -> vector<16xf32>
      %reduce_sum3A_408 = vector.extract %reduce_sum3A_407[15] : f32 from vector<16xf32>
      %add3A_409 = arith.addf %reduce_sum3A_404, %reduce_sum3A_408 : f32
      %reduce_sum3A_410 = arith.constant true
      %reduce_sum3A_411 = vector.broadcast %reduce_sum3A_410 : i1 to vector<16xi1>
      %reduce_sum3A_412 = tpu.scan <sum>, %exp3A_397 masked %reduce_sum3A_411 : vector<16xf32>, vector<16xi1> -> vector<16xf32>
      %reduce_sum3A_413 = vector.extract %reduce_sum3A_412[15] : f32 from vector<16xf32>
      %add3A_414 = arith.addf %add3A_409, %reduce_sum3A_413 : f32
      %reduce_sum3A_415 = arith.constant true
      %reduce_sum3A_416 = vector.broadcast %reduce_sum3A_415 : i1 to vector<16xi1>
      %reduce_sum3A_417 = tpu.scan <sum>, %exp3A_400 masked %reduce_sum3A_416 : vector<16xf32>, vector<16xi1> -> vector<16xf32>
      %reduce_sum3A_418 = vector.extract %reduce_sum3A_417[15] : f32 from vector<16xf32>
      %add3A_419 = arith.addf %add3A_414, %reduce_sum3A_418 : f32
      %div3A_420 = vector.broadcast %add3A_419 : f32 to vector<16xf32>
      %div3A_421 = arith.divf %exp3A_391, %div3A_420 : vector<16xf32>
      %add3A_422 = arith.addf %scan3A_45, %div3A_421 : vector<16xf32>
      %div3A_423 = vector.broadcast %add3A_419 : f32 to vector<16xf32>
      %div3A_424 = arith.divf %exp3A_394, %div3A_423 : vector<16xf32>
      %add3A_425 = arith.addf %scan3A_46, %div3A_424 : vector<16xf32>
      %div3A_426 = vector.broadcast %add3A_419 : f32 to vector<16xf32>
      %div3A_427 = arith.divf %exp3A_397, %div3A_426 : vector<16xf32>
      %add3A_428 = arith.addf %scan3A_47, %div3A_427 : vector<16xf32>
      %div3A_429 = vector.broadcast %add3A_419 : f32 to vector<16xf32>
      %div3A_430 = arith.divf %exp3A_400, %div3A_429 : vector<16xf32>
      %add3A_431 = arith.addf %scan3A_48, %div3A_430 : vector<16xf32>
      scf.yield %add3A_422, %add3A_425, %add3A_428, %add3A_431 : vector<16xf32>, vector<16xf32>, vector<16xf32>, vector<16xf32>
    }
    %scan3A_16 = arith.constant 256 : i32
    %mul3A_17 = arith.constant 8 : i32
    %mul3A_18 = arith.muli %mul3A_2, %mul3A_17 : i32
    "tpu.region"() ({
      %run_scoped3A = tpu.sem_alloc : memref<!tpu.dma_semaphore, #tpu.memory_space<semaphore_mem>>
      %dma_start3A = arith.constant 0 : i32
      %dma_start3A_44 = tpu.memref_slice %arg7[%dma_start3A] : memref<2056xf32, #tpu.memory_space<vmem>> -> memref<2048xf32, #tpu.memory_space<vmem>>
      %dma_start3A_45 = tpu.memref_slice %arg3[%mul3A_18] : memref<65536xf32, #tpu.memory_space<hbm>> -> memref<2048xf32, #tpu.memory_space<hbm>>
      %dma_start3A_46 = tpu.memref_slice %arg3[%mul3A_18] : memref<65536xf32, #tpu.memory_space<hbm>> -> memref<2048xf32, #tpu.memory_space<hbm>>
      %dma_start3A_47 = arith.constant 0 : i32
      %dma_start3A_48 = tpu.memref_slice %arg7[%dma_start3A_47] : memref<2056xf32, #tpu.memory_space<vmem>> -> memref<2048xf32, #tpu.memory_space<vmem>>
      tpu.enqueue_dma source(%dma_start3A_48 : memref<2048xf32, #tpu.memory_space<vmem>>) target(%dma_start3A_46 : memref<2048xf32, #tpu.memory_space<hbm>>) target_semaphore(%run_scoped3A : memref<!tpu.dma_semaphore, #tpu.memory_space<semaphore_mem>>)
      %dma_wait3A = arith.constant 0 : i32
      %dma_wait3A_49 = tpu.memref_slice %arg7[%dma_wait3A] : memref<2056xf32, #tpu.memory_space<vmem>> -> memref<2048xf32, #tpu.memory_space<vmem>>
      %dma_wait3A_50 = tpu.memref_slice %arg3[%mul3A_18] : memref<65536xf32, #tpu.memory_space<hbm>> -> memref<2048xf32, #tpu.memory_space<hbm>>
      %dma_wait3A_51 = tpu.memref_slice %arg3[%mul3A_18] : memref<65536xf32, #tpu.memory_space<hbm>> -> memref<2048xf32, #tpu.memory_space<hbm>>
      %dma_wait3A_52 = arith.constant 0 : i32
      %dma_wait3A_53 = tpu.memref_slice %arg7[%dma_wait3A_52] : memref<2056xf32, #tpu.memory_space<vmem>> -> memref<2048xf32, #tpu.memory_space<vmem>>
      tpu.wait_dma2 semaphore(%run_scoped3A : memref<!tpu.dma_semaphore, #tpu.memory_space<semaphore_mem>>) src(%dma_wait3A_53 : memref<2048xf32, #tpu.memory_space<vmem>>) dst(%dma_wait3A_51 : memref<2048xf32, #tpu.memory_space<hbm>>)
      tpu.yield
    }) : () -> ()
    %mul3A_19 = arith.constant 8 : i32
    %mul3A_20 = arith.muli %mul3A_2, %mul3A_19 : i32
    "tpu.region"() ({
      %run_scoped3A = tpu.sem_alloc : memref<!tpu.dma_semaphore, #tpu.memory_space<semaphore_mem>>
      %dma_start3A = arith.constant 0 : i32
      %dma_start3A_44 = tpu.memref_slice %arg8[%dma_start3A] : memref<2056xi32, #tpu.memory_space<vmem>> -> memref<2048xi32, #tpu.memory_space<vmem>>
      %dma_start3A_45 = tpu.memref_slice %arg4[%mul3A_20] : memref<65536xi32, #tpu.memory_space<hbm>> -> memref<2048xi32, #tpu.memory_space<hbm>>
      %dma_start3A_46 = tpu.memref_slice %arg4[%mul3A_20] : memref<65536xi32, #tpu.memory_space<hbm>> -> memref<2048xi32, #tpu.memory_space<hbm>>
      %dma_start3A_47 = arith.constant 0 : i32
      %dma_start3A_48 = tpu.memref_slice %arg8[%dma_start3A_47] : memref<2056xi32, #tpu.memory_space<vmem>> -> memref<2048xi32, #tpu.memory_space<vmem>>
      tpu.enqueue_dma source(%dma_start3A_48 : memref<2048xi32, #tpu.memory_space<vmem>>) target(%dma_start3A_46 : memref<2048xi32, #tpu.memory_space<hbm>>) target_semaphore(%run_scoped3A : memref<!tpu.dma_semaphore, #tpu.memory_space<semaphore_mem>>)
      %dma_wait3A = arith.constant 0 : i32
      %dma_wait3A_49 = tpu.memref_slice %arg8[%dma_wait3A] : memref<2056xi32, #tpu.memory_space<vmem>> -> memref<2048xi32, #tpu.memory_space<vmem>>
      %dma_wait3A_50 = tpu.memref_slice %arg4[%mul3A_20] : memref<65536xi32, #tpu.memory_space<hbm>> -> memref<2048xi32, #tpu.memory_space<hbm>>
      %dma_wait3A_51 = tpu.memref_slice %arg4[%mul3A_20] : memref<65536xi32, #tpu.memory_space<hbm>> -> memref<2048xi32, #tpu.memory_space<hbm>>
      %dma_wait3A_52 = arith.constant 0 : i32
      %dma_wait3A_53 = tpu.memref_slice %arg8[%dma_wait3A_52] : memref<2056xi32, #tpu.memory_space<vmem>> -> memref<2048xi32, #tpu.memory_space<vmem>>
      tpu.wait_dma2 semaphore(%run_scoped3A : memref<!tpu.dma_semaphore, #tpu.memory_space<semaphore_mem>>) src(%dma_wait3A_53 : memref<2048xi32, #tpu.memory_space<vmem>>) dst(%dma_wait3A_51 : memref<2048xi32, #tpu.memory_space<hbm>>)
      tpu.yield
    }) : () -> ()
    %get3A = arith.constant 0 : index
    %get3A_21 = tpu.vector_load %arg9[%get3A] {strides = array<i32>} : memref<64xf32, #tpu.memory_space<vmem>>, vector<16xf32>,
    %swap3A_22 = arith.constant 0 : index
    %swap3A_23 = tpu.vector_load %arg10[%swap3A_22] {strides = array<i32>} : memref<128xf32, #tpu.memory_space<vmem>>, vector<16xf32>,
    tpu.vector_store %arg10[%swap3A_22], %get3A_21 {strides = array<i32>} : memref<128xf32, #tpu.memory_space<vmem>>, vector<16xf32>,
    %swap3A_24 = arith.constant 64 : index
    %swap3A_25 = tpu.vector_load %arg10[%swap3A_24] {strides = array<i32>} : memref<128xf32, #tpu.memory_space<vmem>>, vector<16xf32>,
    tpu.vector_store %arg10[%swap3A_24], %scan3A_15#0 {strides = array<i32>} : memref<128xf32, #tpu.memory_space<vmem>>, vector<16xf32>,
    %get3A_26 = arith.constant 16 : index
    %get3A_27 = tpu.vector_load %arg9[%get3A_26] {strides = array<i32>} : memref<64xf32, #tpu.memory_space<vmem>>, vector<16xf32>,
    %swap3A_28 = arith.constant 16 : index
    %swap3A_29 = tpu.vector_load %arg10[%swap3A_28] {strides = array<i32>} : memref<128xf32, #tpu.memory_space<vmem>>, vector<16xf32>,
    tpu.vector_store %arg10[%swap3A_28], %get3A_27 {strides = array<i32>} : memref<128xf32, #tpu.memory_space<vmem>>, vector<16xf32>,
    %swap3A_30 = arith.constant 80 : index
    %swap3A_31 = tpu.vector_load %arg10[%swap3A_30] {strides = array<i32>} : memref<128xf32, #tpu.memory_space<vmem>>, vector<16xf32>,
    tpu.vector_store %arg10[%swap3A_30], %scan3A_15#1 {strides = array<i32>} : memref<128xf32, #tpu.memory_space<vmem>>, vector<16xf32>,
    %get3A_32 = arith.constant 32 : index
    %get3A_33 = tpu.vector_load %arg9[%get3A_32] {strides = array<i32>} : memref<64xf32, #tpu.memory_space<vmem>>, vector<16xf32>,
    %swap3A_34 = arith.constant 32 : index
    %swap3A_35 = tpu.vector_load %arg10[%swap3A_34] {strides = array<i32>} : memref<128xf32, #tpu.memory_space<vmem>>, vector<16xf32>,
    tpu.vector_store %arg10[%swap3A_34], %get3A_33 {strides = array<i32>} : memref<128xf32, #tpu.memory_space<vmem>>, vector<16xf32>,
    %swap3A_36 = arith.constant 96 : index
    %swap3A_37 = tpu.vector_load %arg10[%swap3A_36] {strides = array<i32>} : memref<128xf32, #tpu.memory_space<vmem>>, vector<16xf32>,
    tpu.vector_store %arg10[%swap3A_36], %scan3A_15#2 {strides = array<i32>} : memref<128xf32, #tpu.memory_space<vmem>>, vector<16xf32>,
    %get3A_38 = arith.constant 48 : index
    %get3A_39 = tpu.vector_load %arg9[%get3A_38] {strides = array<i32>} : memref<64xf32, #tpu.memory_space<vmem>>, vector<16xf32>,
    %swap3A_40 = arith.constant 48 : index
    %swap3A_41 = tpu.vector_load %arg10[%swap3A_40] {strides = array<i32>} : memref<128xf32, #tpu.memory_space<vmem>>, vector<16xf32>,
    tpu.vector_store %arg10[%swap3A_40], %get3A_39 {strides = array<i32>} : memref<128xf32, #tpu.memory_space<vmem>>, vector<16xf32>,
    %swap3A_42 = arith.constant 112 : index
    %swap3A_43 = tpu.vector_load %arg10[%swap3A_42] {strides = array<i32>} : memref<128xf32, #tpu.memory_space<vmem>>, vector<16xf32>,
    tpu.vector_store %arg10[%swap3A_42], %scan3A_15#3 {strides = array<i32>} : memref<128xf32, #tpu.memory_space<vmem>>, vector<16xf32>,
    "tpu.region"() ({
      %run_scoped3A = tpu.sem_alloc : memref<!tpu.dma_semaphore, #tpu.memory_space<semaphore_mem>>
      %dma_start3A = arith.constant 0 : i32
      %dma_start3A_44 = tpu.memref_slice %arg5[%add3A, %dma_start3A] : memref<32x128xf32, #tpu.memory_space<hbm>> -> memref<1x128xf32, #tpu.memory_space<hbm>>
      %dma_start3A_45 = tpu.memref_squeeze %dma_start3A_44 : memref<1x128xf32, #tpu.memory_space<hbm>> -> memref<128xf32, #tpu.memory_space<hbm>>
      %dma_start3A_46 = arith.constant 0 : i32
      %dma_start3A_47 = tpu.memref_slice %arg5[%add3A, %dma_start3A_46] : memref<32x128xf32, #tpu.memory_space<hbm>> -> memref<1x128xf32, #tpu.memory_space<hbm>>
      %dma_start3A_48 = tpu.memref_squeeze %dma_start3A_47 : memref<1x128xf32, #tpu.memory_space<hbm>> -> memref<128xf32, #tpu.memory_space<hbm>>
      tpu.enqueue_dma source(%arg10 : memref<128xf32, #tpu.memory_space<vmem>>) target(%dma_start3A_48 : memref<128xf32, #tpu.memory_space<hbm>>) target_semaphore(%run_scoped3A : memref<!tpu.dma_semaphore, #tpu.memory_space<semaphore_mem>>)
      %dma_wait3A = arith.constant 0 : i32
      %dma_wait3A_49 = tpu.memref_slice %arg5[%add3A, %dma_wait3A] : memref<32x128xf32, #tpu.memory_space<hbm>> -> memref<1x128xf32, #tpu.memory_space<hbm>>
      %dma_wait3A_50 = tpu.memref_squeeze %dma_wait3A_49 : memref<1x128xf32, #tpu.memory_space<hbm>> -> memref<128xf32, #tpu.memory_space<hbm>>
      %dma_wait3A_51 = arith.constant 0 : i32
      %dma_wait3A_52 = tpu.memref_slice %arg5[%add3A, %dma_wait3A_51] : memref<32x128xf32, #tpu.memory_space<hbm>> -> memref<1x128xf32, #tpu.memory_space<hbm>>
      %dma_wait3A_53 = tpu.memref_squeeze %dma_wait3A_52 : memref<1x128xf32, #tpu.memory_space<hbm>> -> memref<128xf32, #tpu.memory_space<hbm>>
      tpu.wait_dma2 semaphore(%run_scoped3A : memref<!tpu.dma_semaphore, #tpu.memory_space<semaphore_mem>>) src(%arg10 : memref<128xf32, #tpu.memory_space<vmem>>) dst(%dma_wait3A_53 : memref<128xf32, #tpu.memory_space<hbm>>)
      tpu.yield
    }) : () -> ()
    return
  }
}

module attributes {stable_mosaic.version = 14 : i64} {
  func.func @_matmul_body(%arg0: i32, %arg1: memref<1024x4096xf32, #tpu.memory_space<vmem>>, %arg2: memref<4096x64xf32, #tpu.memory_space<vmem>>, %arg3: memref<1024x64xf32, #tpu.memory_space<vmem>>) attributes {dimension_semantics = [#tpu.dimension_semantics<arbitrary>], iteration_bounds = array<i64: 8>, scalar_prefetch = 0 : i64, scratch_operands = 0 : i64, tpu.core_type = #tpu.core_type<tc>, window_params = [{transform_indices = @transform_0, window_bounds = array<i64: 1024, 4096>}, {pipeline_mode = #tpu.pipeline_mode<synchronous>, transform_indices = @transform_1, window_bounds = array<i64: 4096, 64>}, {transform_indices = @transform_2, window_bounds = array<i64: 1024, 64>}]} {
    %get3A = arith.constant 0 : index
    %get3A_0 = arith.constant 0 : index
    %get3A_1 = vector.load %arg1[%get3A, %get3A_0] : memref<1024x4096xf32, #tpu.memory_space<vmem>>, vector<1024x4096xf32>
    %get3A_2 = arith.constant 0 : index
    %get3A_3 = arith.constant 0 : index
    %get3A_4 = vector.load %arg2[%get3A_2, %get3A_3] : memref<4096x64xf32, #tpu.memory_space<vmem>>, vector<4096x64xf32>
    %dot_general3A = arith.constant dense<0.000000e+00> : vector<1024x64xf32>
    %dot_general3A_5 = tpu.matmul %get3A_1, %get3A_4, %dot_general3A {dimension_numbers = #tpu.dot_dimension_numbers<[1], [0], [0], [1], [0, 0, 1, 1], [], []>, transpose_lhs_hint = false} : vector<1024x4096xf32>, vector<4096x64xf32>, vector<1024x64xf32> -> vector<1024x64xf32>
    %swap3A = arith.constant 0 : index
    %swap3A_6 = arith.constant 0 : index
    %swap3A_7 = vector.load %arg3[%swap3A, %swap3A_6] : memref<1024x64xf32, #tpu.memory_space<vmem>>, vector<1024x64xf32>
    tpu.vector_store %arg3[%swap3A, %swap3A_6], %dot_general3A_5 {strides = array<i32>} : memref<1024x64xf32, #tpu.memory_space<vmem>>, vector<1024x64xf32>,
    return
  }
  func.func @transform_0(%arg0: i32) -> (i32, i32) {
    %c0_i32 = arith.constant 0 : i32
    %c0_i32_0 = arith.constant 0 : i32
    return %arg0, %c0_i32 : i32, i32
  }
  func.func @transform_1(%arg0: i32) -> (i32, i32) {
    %c0_i32 = arith.constant 0 : i32
    %c0_i32_0 = arith.constant 0 : i32
    %c0_i32_1 = arith.constant 0 : i32
    return %c0_i32, %c0_i32_0 : i32, i32
  }
  func.func @transform_2(%arg0: i32) -> (i32, i32) {
    %c0_i32 = arith.constant 0 : i32
    %c0_i32_0 = arith.constant 0 : i32
    return %arg0, %c0_i32 : i32, i32
  }
}

module attributes {stable_mosaic.version = 14 : i64} {
  func.func @_aux_body(%arg0: memref<64x128xf32, #tpu.memory_space<vmem>>, %arg1: memref<1x1xf32, #tpu.memory_space<vmem>>) attributes {dimension_semantics = [], scalar_prefetch = 0 : i64, scratch_operands = 0 : i64, tpu.core_type = #tpu.core_type<tc>} {
    %get3A = arith.constant 0 : index
    %get3A_0 = arith.constant 0 : index
    %get3A_1 = vector.load %arg0[%get3A, %get3A_0] : memref<64x128xf32, #tpu.memory_space<vmem>>, vector<64x128xf32>
    %slice3A = vector.extract_strided_slice %get3A_1 {offsets = [0, 0], sizes = [64, 64], strides = [1, 1]} : vector<64x128xf32> to vector<64x64xf32>
    %reduce_sum3A = arith.constant dense<0.000000e+00> : vector<64xf32>
    %reduce_sum3A_2 = vector.multi_reduction <add>, %slice3A, %reduce_sum3A [0] : vector<64x64xf32> to vector<64xf32>
    %slice3A_3 = vector.extract_strided_slice %get3A_1 {offsets = [0, 64], sizes = [64, 64], strides = [1, 1]} : vector<64x128xf32> to vector<64x64xf32>
    %reduce_sum3A_4 = arith.constant dense<0.000000e+00> : vector<64xf32>
    %reduce_sum3A_5 = vector.multi_reduction <add>, %slice3A_3, %reduce_sum3A_4 [0] : vector<64x64xf32> to vector<64xf32>
    %reduce_sum3A_6 = vector.shape_cast %reduce_sum3A_2 : vector<64xf32> to vector<1x64xf32>
    %reduce_sum3A_7 = arith.constant dense<0.000000e+00> : vector<1xf32>
    %reduce_sum3A_8 = vector.multi_reduction <add>, %reduce_sum3A_6, %reduce_sum3A_7 [1] : vector<1x64xf32> to vector<1xf32>
    %reduce_sum3A_9 = vector.shape_cast %reduce_sum3A_8 : vector<1xf32> to vector<1x1xf32>
    %reduce_sum3A_10 = vector.extract %reduce_sum3A_9[0, 0] : f32 from vector<1x1xf32>
    %div3A = arith.constant 6.400000e+01 : f32
    %div3A_11 = arith.divf %reduce_sum3A_10, %div3A : f32
    %sub3A = vector.broadcast %div3A_11 : f32 to vector<64xf32>
    %sub3A_12 = arith.subf %reduce_sum3A_2, %sub3A : vector<64xf32>
    %integer_pow3A = arith.mulf %sub3A_12, %sub3A_12 : vector<64xf32>
    %reduce_sum3A_13 = vector.shape_cast %integer_pow3A : vector<64xf32> to vector<1x64xf32>
    %reduce_sum3A_14 = arith.constant dense<0.000000e+00> : vector<1xf32>
    %reduce_sum3A_15 = vector.multi_reduction <add>, %reduce_sum3A_13, %reduce_sum3A_14 [1] : vector<1x64xf32> to vector<1xf32>
    %reduce_sum3A_16 = vector.shape_cast %reduce_sum3A_15 : vector<1xf32> to vector<1x1xf32>
    %reduce_sum3A_17 = vector.extract %reduce_sum3A_16[0, 0] : f32 from vector<1x1xf32>
    %div3A_18 = arith.constant 6.300000e+01 : f32
    %div3A_19 = arith.divf %reduce_sum3A_17, %div3A_18 : f32
    %sqrt3A = math.sqrt %div3A_19 : f32
    %add3A = arith.constant 9.99999997E-7 : f32
    %add3A_20 = arith.addf %div3A_11, %add3A : f32
    %div3A_21 = arith.divf %sqrt3A, %add3A_20 : f32
    %reduce_sum3A_22 = vector.shape_cast %reduce_sum3A_5 : vector<64xf32> to vector<1x64xf32>
    %reduce_sum3A_23 = arith.constant dense<0.000000e+00> : vector<1xf32>
    %reduce_sum3A_24 = vector.multi_reduction <add>, %reduce_sum3A_22, %reduce_sum3A_23 [1] : vector<1x64xf32> to vector<1xf32>
    %reduce_sum3A_25 = vector.shape_cast %reduce_sum3A_24 : vector<1xf32> to vector<1x1xf32>
    %reduce_sum3A_26 = vector.extract %reduce_sum3A_25[0, 0] : f32 from vector<1x1xf32>
    %div3A_27 = arith.constant 6.400000e+01 : f32
    %div3A_28 = arith.divf %reduce_sum3A_26, %div3A_27 : f32
    %sub3A_29 = vector.broadcast %div3A_28 : f32 to vector<64xf32>
    %sub3A_30 = arith.subf %reduce_sum3A_5, %sub3A_29 : vector<64xf32>
    %integer_pow3A_31 = arith.mulf %sub3A_30, %sub3A_30 : vector<64xf32>
    %reduce_sum3A_32 = vector.shape_cast %integer_pow3A_31 : vector<64xf32> to vector<1x64xf32>
    %reduce_sum3A_33 = arith.constant dense<0.000000e+00> : vector<1xf32>
    %reduce_sum3A_34 = vector.multi_reduction <add>, %reduce_sum3A_32, %reduce_sum3A_33 [1] : vector<1x64xf32> to vector<1xf32>
    %reduce_sum3A_35 = vector.shape_cast %reduce_sum3A_34 : vector<1xf32> to vector<1x1xf32>
    %reduce_sum3A_36 = vector.extract %reduce_sum3A_35[0, 0] : f32 from vector<1x1xf32>
    %div3A_37 = arith.constant 6.300000e+01 : f32
    %div3A_38 = arith.divf %reduce_sum3A_36, %div3A_37 : f32
    %sqrt3A_39 = math.sqrt %div3A_38 : f32
    %add3A_40 = arith.constant 9.99999997E-7 : f32
    %add3A_41 = arith.addf %div3A_28, %add3A_40 : f32
    %div3A_42 = arith.divf %sqrt3A_39, %add3A_41 : f32
    %add3A_43 = arith.addf %div3A_21, %div3A_42 : f32
    %mul3A = arith.constant 0.00999999977 : f32
    %mul3A_44 = arith.mulf %add3A_43, %mul3A : f32
    %broadcast_in_dim3A = vector.broadcast %mul3A_44 : f32 to vector<1x1xf32>
    %swap3A = arith.constant 0 : index
    %swap3A_45 = arith.constant 0 : index
    %swap3A_46 = vector.load %arg1[%swap3A, %swap3A_45] : memref<1x1xf32, #tpu.memory_space<vmem>>, vector<1x1xf32>
    tpu.vector_store %arg1[%swap3A, %swap3A_45], %broadcast_in_dim3A {strides = array<i32>} : memref<1x1xf32, #tpu.memory_space<vmem>>, vector<1x1xf32>,
    return
  }
}

</mosaic_0001>

<sc_bundles>
// kernel: kernel.10.cloned.1.call-start
scs
__scs_entry_jumppad:
0x0: {  	(pc) =	sbr.rel $0x88, $3  }
0x1: {  	(tag) =	ssettag $0x0;
	lr =	simm.s32 $0x1  }
0x2: {  	[smem:$0x3F9F] =	sst lr;
	_ =	strace $0xD0000000  }
0x3: {  	_ = 	snop  }
0x4: {  	_ = 	snop  }
0x5: {  	_ = 	snop  }
0x6: {  	_ = 	snop  }
0x7: {  	_ = 	snop  }
__scs_overlays_trampoline_lowered:
0x8: {  	[smem:$0x3FAE] =	sst s0  }
0x9: {  	[smem:$0x3FAF] =	sst s1  }
0xa: {  	[smem:$0x3FB0] =	sst s2  }
0xb: {  	[smem:$0x3FB1] =	sst s3  }
0xc: {  	[smem:$0x3FB2] =	sst s4  }
0xd: {  	[smem:$0x3FB3] =	sst s5  }
0xe: {  	[smem:$0x3FB4] =	sst s6  }
0xf: {  	[smem:$0x3FB5] =	sst s7  }
0x10: {  	[smem:$0x3FB6] =	sst s8  }
0x11: {  	[smem:$0x3FB7] =	sst s9;
	s0 =	simm.s32 @!p0 $0x0  }
0x12: {  	s1 =	sld [smem:$0x3F9D];
	s0 =	simm.s32 @p0 $0x1  }
0x13: {  	[smem:$0x3FB8] =	sst s0;
	s0 =	simm.s32 @!p1 $0x0  }
0x14: {  	s2 =	sld [smem:$0x3F9C];
	s0 =	simm.s32 @p1 $0x1  }
0x15: {  	[smem:$0x3FB9] =	sst s0;
	s0 =	simm.s32 @!p2 $0x0  }
0x16: {  	s3 =	sld [smem:$0x3FDB];
	s0 =	simm.s32 @p2 $0x1  }
0x17: {  	s4 =	simm.s32 $0x1BF5;
	[smem:$0x3FBB] =	sst s0  }
0x18: {  	s0 =	sld [smem:$0x3F9E];
	_ =	swait.ge [sflag:s4], $0x0  }
0x19: {  	s7 =	sld [smem:$0x3F9F]  }
0x1a: {  	s8 =	sadd.s32 $0xFFFFE003, lr  }
0x1b: {  	s9 =	sadd.s32 $0xFFFFFEF7, lr;
	s5 =	simm.s32 $0xFFFFFFFF;
	p2 =	slt.u32 s8, $0xFFFFF086  }
0x1c: {  	p1 =	slt.u32 s9, $0xF7A;
	s5 =	simm.s32 @!p2 $0x0  }
0x1d: {  	s5 =	simm.s32 @p1 $0x1;
	p0 =	seq.s32 s7, s2  }
0x1e: {  	s7 =	smul.u32 @!p0 $0xF7A, s2;
	p2 =	seq.s32 @!p0 s5, $0x0  }
0x1f: {  	s9 =	smul.u32 $0xF7A, s1;
	s8 =	simm.s32 @!p0 $0x1BF5;
	p2 =	por !p2, p0  }
0x20: {  	[sflag:s8] =	ssyncset.s32 @!p0 $0xFFFFF086;
	s6 =	sadd.s32 @!p0 s3, s7;
	s7 =	simm.s32 @!p0 $0x108  }
0x21: {  	s3 =	sadd.s32 s3, s9;
	s6 =	sadd.s32 @!p0 $0x88, s6;
	s7 =	simm.s32 @p2 $0x1082  }
0x22: {  	[simem:s7], [sflag:s8] =	dma.local @!p0 [hbm:s6], $0xF7A  }
0x23: {  	s9 =	sor.u32 $0xD0000000, s2;
	s6 =	simm.s32 $0x108;
	_ =	swait.ge @!p0 [sflag:s8], $0x0  }
0x24: {  	s3 =	sadd.s32 $0x88, s3;
	s6 =	simm.s32 @!p1 $0x1082;
	[sflag:s4] =	ssyncset.s32 $0xFFFFF086  }
0x25: {  	[simem:s6], [sflag:s4] =	dma.local [hbm:s3], $0xF7A  }
0x26: {  	[smem:$0x3F9F] =	sst s1;
	(tag) =	ssettag s2;
	_ =	strace s9  }
0x27: {  	s1 =	sld [smem:$0x3FAF]  }
0x28: {  	s2 =	sld [smem:$0x3FB0]  }
0x29: {  	s4 =	sld [smem:$0x3FB2]  }
0x2a: {  	p0 =	seq.s32 s5, $0x0;
	s5 =	sld [smem:$0x3FB3]  }
0x2b: {  	s6 =	sld [smem:$0x3FB4]  }
0x2c: {  	s7 =	sld [smem:$0x3FB5]  }
0x2d: {  	s3 =	simm.s32 $0x108;
	s8 =	sld [smem:$0x3FB6]  }
0x2e: {  	s3 =	simm.s32 @!p0 $0x1082;
	s9 =	sld [smem:$0x3FB7]  }
0x2f: {  	lr =	sadd.s32 s0, s3;
	s0 =	sld [smem:$0x3FAE]  }
0x30: {  	s3 =	sld [smem:$0x3FB1]  }
0x31: {  	[smem:$0x3FBA] =	sst s10  }
0x32: {  	s10 =	sld [smem:$0x3FB8];
	_ =	sdelay $0x3  }
0x33: {  	p0 =	seq.s32 s10, $0x1;
	s10 =	sld [smem:$0x3FBA];
	_ =	sdelay $0x3  }
0x34: {  	[smem:$0x3FBA] =	sst s10  }
0x35: {  	s10 =	sld [smem:$0x3FB9];
	_ =	sdelay $0x3  }
0x36: {  	p1 =	seq.s32 s10, $0x1;
	s10 =	sld [smem:$0x3FBA];
	_ =	sdelay $0x3  }
0x37: {  	[smem:$0x3FBA] =	sst s10  }
0x38: {  	s10 =	sld [smem:$0x3FBB]  }
0x39: {  	_ = 	snop;
	(pc) =	sbr.ind lr, $3  }
0x3a: {  	_ = 	snop  }
0x3b: {  	_ = 	snop  }
0x3c: {  	p2 =	seq.s32 s10, $0x1;
	s10 =	sld [smem:$0x3FBA]  }
0x3d: {  	_ =	shalt  }
0x3e: {  	_ =	shalt  }
0x3f: {  	_ =	shalt  }
0x40: {  	_ =	shalt  }
0x41: {  	_ =	shalt  }
0x42: {  	_ =	shalt  }
0x43: {  	_ =	shalt  }
0x44: {  	_ =	shalt  }
0x45: {  	_ =	shalt  }
0x46: {  	_ =	shalt  }
0x47: {  	_ =	shalt  }
0x48: {  	_ =	shalt  }
0x49: {  	_ =	shalt  }
0x4a: {  	_ =	shalt  }
0x4b: {  	_ =	shalt  }
0x4c: {  	_ =	shalt  }
0x4d: {  	_ =	shalt  }
0x4e: {  	_ =	shalt  }
0x4f: {  	_ =	shalt  }
0x50: {  	_ =	shalt  }
0x51: {  	_ =	shalt  }
0x52: {  	_ =	shalt  }
0x53: {  	_ =	shalt  }
0x54: {  	_ =	shalt  }
0x55: {  	_ =	shalt  }
0x56: {  	_ =	shalt  }
0x57: {  	_ =	shalt  }
0x58: {  	_ =	shalt  }
0x59: {  	_ =	shalt  }
0x5a: {  	_ =	shalt  }
0x5b: {  	_ =	shalt  }
0x5c: {  	_ =	shalt  }
0x5d: {  	_ =	shalt  }
0x5e: {  	_ =	shalt  }
0x5f: {  	_ =	shalt  }
0x60: {  	_ =	shalt  }
0x61: {  	_ =	shalt  }
0x62: {  	_ =	shalt  }
0x63: {  	_ =	shalt  }
0x64: {  	_ =	shalt  }
0x65: {  	_ =	shalt  }
0x66: {  	_ =	shalt  }
0x67: {  	_ =	shalt  }
0x68: {  	_ =	shalt  }
0x69: {  	_ =	shalt  }
0x6a: {  	_ =	shalt  }
0x6b: {  	_ =	shalt  }
0x6c: {  	_ =	shalt  }
0x6d: {  	_ =	shalt  }
0x6e: {  	_ =	shalt  }
0x6f: {  	_ =	shalt  }
0x70: {  	_ =	shalt  }
0x71: {  	_ =	shalt  }
0x72: {  	_ =	shalt  }
0x73: {  	_ =	shalt  }
0x74: {  	_ =	shalt  }
0x75: {  	_ =	shalt  }
0x76: {  	_ =	shalt  }
0x77: {  	_ =	shalt  }
0x78: {  	_ =	shalt  }
0x79: {  	_ =	shalt  }
0x7a: {  	_ =	shalt  }
0x7b: {  	_ =	shalt  }
0x7c: {  	_ =	shalt  }
0x7d: {  	_ =	shalt  }
0x7e: {  	_ =	shalt  }
0x7f: {  	_ =	shalt  }
0x80: {  	_ =	shalt  }
0x81: {  	_ =	shalt  }
0x82: {  	_ =	shalt  }
0x83: {  	_ =	shalt  }
0x84: {  	_ =	shalt  }
0x85: {  	_ =	shalt  }
0x86: {  	_ =	shalt  }
0x87: {  	_ =	shalt  }
.Lfunc_end0:
.L_simem_size_0:
called_computation.1_lowered:
.L_overlay_start_0:
0x88: {  	s2 =	sld [smem:$0x3FD9]  }
0x89: {  	s3 =	sld [smem:$0x3FFE];
	_ =	sdelay $0x1  }
0x8a: {  	s1 =	srdreg.scid  }
0x8b: {  	s0 =	sand.u32 $0x1, s1  }
0x8c: {  	s16 =	sshll.u32 s0, $0xA;
	s2 =	sadd.s32 s3, s2  }
0x8d: {  	s2 =	sadd.s32 s2, s16  }
0x8e: {  	[smem:$0x3FC6] =	sst s2  }
0x8f: {  	_ = 	snop  }
0x90: {  	(tm) =	ssettm $0x1  }
0x91: {  	s17 =	sld [smem:$0x3FFB];
	_ =	sdelay $0x3  }
0x92: {  	_ =	strace s17  }
0x93: {  	s2 =	sld [smem:$0x3FFC];
	_ =	sdelay $0x3  }
0x94: {  	_ =	strace s2  }
0x95: {  	s2 =	sld [smem:$0x3FFD];
	_ =	sdelay $0x3  }
0x96: {  	_ =	strace s2  }
0x97: {  	_ =	strace $0x8FFFFFFF  }
0x98: {  	s18 =	sld [smem:$0x3FDB];
	_ =	sdelay $0x1  }
0x99: {  	s19 =	simm.s32 $_scs_section_size  }
0x9a: {  	s4 =	simm.s32 $_size__tile_overlayer_lowered;
	s5 =	simm.s32 $_tile_overlayer_lowered  }
0x9b: {  	s22 =	simm.s32 $0x1BFF;
	s21 =	sshll.u32 s5, $0x1;
	s2 =	sadd.s32 s19, s18  }
0x9c: {  	s6 =	simm.s32 $0x0;
	s20 =	sshll.u32 s4, $0x1;
	s4 =	sadd.s32 s21, s2  }
0x9d: {  	[timem:s6], [sflag:s22] =	dma.local [hbm:s4], s20  }
0x9e: {  	_ =	swait.ge [sflag:s22], s20  }
0x9f: {  	s3 =	ssub.s32 $0x0, s20;
	[sflag:s22] =	ssyncset.done $0x0  }
0xa0: {  	[sflag:s22] =	ssyncadd.s32 s3;
	_ =	sdelay $0x1  }
0xa1: {  	s23 =	simm.s32 $0x1B8B  }
0xa2: {  	_ =	swait.ge [sflag:s23], $0x1  }
0xa3: {  	[sflag:s23] =	ssyncset.done $0x0  }
0xa4: {  	s25 =	simm.s32 $0x1B8E;
	s24 =	sld [smem:$0x3FFE];
	[sflag:s23] =	ssyncadd.s32 $0xFFFFFFFF  }
0xa5: {  	s26 =	simm.s32 $execute0_lowered;
	[smem:$0x3FD2] =	sst s25  }
0xa6: {  	s4 =	sshll.u32 s26, $0x1;
	_ =	strace $0x80000046;
	[dreg:$0x1] =	wrdreg $0xFFFFFFFF  }
0xa7: {  	s28 =	simm.s32 $_size_execute0_lowered;
	s2 =	sadd.s32 s2, s4;
	[dreg:$0x0] =	wrdreg $0x0  }
0xa8: {  	s4 =	sshll.u32 s28, $0x1;
	[dreg:$0x2] =	wrdreg s2  }
0xa9: {  	[dreg:$0x3] =	wrdreg s4  }
0xaa: {  	[dreg:$0x4] =	wrdreg $0xC0  }
0xab: {  	_ =	task [dreg:s6], $0x5FFFF  }
0xac: {  	[dreg:$0x1] =	wrdreg $0xFFFFFFFF  }
0xad: {  	[dreg:$0x0] =	wrdreg $0x60  }
0xae: {  	[dreg:$0x2] =	wrdreg s24  }
0xaf: {  	[dreg:$0x3] =	wrdreg $0xA  }
0xb0: {  	_ =	task.clear_ibuf [dreg:s6], $0x4FFFF;
	_ =	strace $0x90000046  }
0xb1: {  	s29 =	simm.s32 $0xA;
	_ =	strace $0x80000048  }
0xb2: {  	_ =	swait.ge [sflag:s29], $0x1  }
0xb3: {  	[sflag:s29] =	ssyncadd.s32 $0xFFFFFFFF  }
0xb4: {  	_ =	strace $0x90000048  }
0xb5: {  	_ =	sfence  }
0xb6: {  	s30 =	sld [smem:$0x0];
	_ =	sdelay $0x2  }
0xb7: {  	s31 =	sshll.u32 s1, $0xD;
	s1 =	sshrl.u32 s1, $0x2  }
0xb8: {  	s3 =	sand.u32 $0x4000, s31;
	s1 =	sadd.s32 s1, s30  }
0xb9: {  	s0 =	sor.u32 s3, s0;
	s1 =	sshll.u32 s1, $0x11  }
0xba: {  	s0 =	sor.u32 s1, s0  }
0xbb: {  	s0 =	sadd.s32 $0x8F2B, s0  }
0xbc: {  	[sflag:s0] =	ssyncadd.remote.s32 $0x1  }
0xbd: {  	_ =	sfence.sel $0xFFFF  }
0xbe: {  	[dreg:$0x0] =	wrdreg $0xFFFFFFFF;
	(pc) =	sbr.abs _section_cstart, $3  }
0xbf: {  	[dreg:$0x1] =	wrdreg $0xFFFFFFFF  }
0xc0: {  	_ =	task.clear_ibuf [dreg:s6], $0x2FFFF;
	_ =	strace $0x9FFFFFFF  }
0xc1: {  	(tm) =	ssettm $0x7FFFFFFF  }
tec
execute0_lowered:
.L_overlay_start_1:
0x0: {  	(tag) =	ssettag $0x1  }
0x1: {  	v0 =	vlaneseq.u32;
	v1 =	vimm.s32 $0x76543210  }
0x2: {  	v6 =	vimm.s32 $0x32107654;
	v7 =	vimm.s32 $0xDCFE98BA;
	v8 =	vimm.s32 $0x54761032  }
0x3: {  	vm0 =	vcmask $0x2F20;
	vm1 =	vcmask $0x1710;
	vm2 =	vcmask $0x700  }
0x4: {  	vm3 =	vcmask $0xF00;
	vm4 =	vcmask $0x2320;
	v4 =	vmul.u32 $0xFFFFFFFF, v0  }
0x5: {  	v0 =	vimm.s32 $0xFEDCBA98;
	v3 =	vunpack.c.l.s4.s8 v1;
	v1 =	vimm.s32 $0xBA98FEDC  }
0x6: {  	v6 =	vunpack.c.l.s4.s8 v6;
	v7 =	vunpack.c.l.s4.s8 v7;
	v8 =	vunpack.c.l.s4.s8 v8  }
0x7: {  	vm1 =	vmor vm2, vm1;
	vm2 =	vcmask $0x2720;
	vm0 =	vmor vm3, vm0  }
0x8: {  	vm3 =	vcmask $0x300;
	v2 =	vunpack.c.l.s4.s8 v0;
	v5 =	vunpack.c.l.s4.s8 v1  }
0x9: {  	vm1 =	vmor vm1, vm2;
	vm2 =	vcmask $0x3730;
	v0 =	vadd.s32 $0x3F, v4  }
0xa: {  	v1 =	vadd.s32 $0x2F, v4;
	v3 =	vunpack.c.0.s8.s32 v3;
	v6 =	vunpack.c.0.s8.s32 v6  }
0xb: {  	vm1 =	vmor vm1, vm2;
	vm2 =	vcmask $0xB08;
	v5 =	vunpack.c.0.s8.s32 v5  }
0xc: {  	s1 =	srdreg.scid;
	v2 =	vunpack.c.0.s8.s32 v2;
	vm2 =	vmor vm3, vm2;
	vm3 =	vcmask $0x1310  }
0xd: {  	s0 =	stileid.u32;
	s3 =	rddreg [dreg:$0x0];
	v5 =	vcombine.low v6, v5;
	v6 =	vunpack.c.0.s8.s32 v7;
	v7 =	vunpack.c.0.s8.s32 v8  }
0xe: {  	s2 =	simm.s32 $0x0;
	s10 =	simm.s32 $0x8000;
	s11 =	simm.s32 $0x8880;
	vm2 =	vmor vm2, vm3;
	vm3 =	vcmask $0x1B18;
	v2 =	vand.u32 $0xF, v2  }
0xf: {  	s12 =	simm.s32 $0x9180;
	s4 =	sand.u32 $0x1, s1;
	s1 =	rddreg [dreg:$0x1];
	v8 =	vimm.s32 $0x67452301;
	v6 =	vcombine.low v7, v6;
	v7 =	vimm.s32 $0xEFCDAB89  }
0x10: {  	s13 =	simm.s32 $0x0;
	s5 =	sshll.u32 s0, $0x1;
	[smem:$0x7FF] =	sst s2;
	vm3 =	vmor vm2, vm3;
	v8 =	vunpack.c.l.s4.s8 v8;
	v7 =	vunpack.c.l.s4.s8 v7  }
0x11: {  	s5 =	sor.u32 s4, s5;
	_ =	strace $0x80000047;
	s4 =	ssub.s32 $0x2, s4;
	vm2 =	vmmov $0xff;
	v2 =	vcombine.low v2, v3;
	v3 =	vadd.s32 $0x1F, v4  }
0x12: {  	s6 =	sshll.u32 s5, $0xC;
	s7 =	sshll.u32 s5, $0x8;
	s5 =	sshll.u32 s5, $0x4;
	v4 =	vadd.s32 $0xF, v4;
	v8 =	vunpack.c.0.s8.s32 v8;
	v7 =	vunpack.c.0.s8.s32 v7  }
0x13: {  	s31 =	sshrl.u32 s4, $0x1;
	s6 =	sadd.s32 s6, s3;
	s7 =	sadd.s32 s7, s3;
	vm3 =	vmor vm3, vm4;
	vm4 =	vcmask $0x2B28;
	v5 =	vand.u32 $0xF, v5  }
0x14: {  	s8 =	sadd.s32 s5, s3;
	s9 =	ssub.s32 s4, s31;
	s3 =	sadd.s32 $0x1A00, s6;
	vm3 =	vmor vm3, vm4;
	vm4 =	vcmask $0x3330;
	v7 =	vcombine.low v8, v7  }
0x15: {  	s4 =	sadd.s32 $0x21A00, s7;
	s5 =	sadd.s32 $0x23A00, s7;
	s6 =	sadd.s32 $0x25A00, s8;
	vm3 =	vmor vm3, vm4;
	vm4 =	vcmask $0x3B38;
	v6 =	vand.u32 $0xF, v6  }
0x16: {  	s7 =	smax.u32 s9, $0x1;
	s8 =	simm.s32 $0x1;
	s9 =	simm.s32 $0x9100;
	vm3 =	vmor vm3, vm4;
	v8 =	vimm.f32 $1.000000000e+00;
	v7 =	vand.u32 $0xF, v7  }
.LBB2_1:
0x17: {  	[tilespmem:s2], [sflag:$0x1] =	stream.linear.gather [hbm4b:s3+s2], $0x8000, $0x38;
	[tilespmem:$0x9200] =	vst v63  }
0x18: {  	_ =	swait.ge [sflag:s8], $0x8000  }
0x19: {  	[sflag:s8] =	ssyncset.done $0x0  }
0x1a: {  	v9 =	vimm.f32 $0.0e+00;
	[sflag:s8] =	ssyncadd.s32 $0xFFFF8000  }
0x1b: {  	[tilespmem:$0x9100] =	vst v9  }
0x1c: {  	[tilespmem:$0x9110] =	vst v9  }
0x1d: {  	[tilespmem:$0x9120] =	vst v9  }
0x1e: {  	s14 =	simm.s32 $0x20;
	[tilespmem:$0x9130] =	vst v9  }
0x1f: {  	v10 =	vld [tilespmem:s14+$0x10]  }
0x20: {  	v11 =	vld [tilespmem:s14+$0x0]  }
0x21: {  	v12 =	vld [tilespmem:s14+$0xFFFFFFE0]  }
0x22: {  	v13 =	vld [tilespmem:s14+$0xFFFFFFF0];
	_ =	sdelay $0x2  }
0x23: {  	vm4 =	vlt.s32 v10, $0x0;
	v14 =	vxor.u32 $0x7FFFFFC0, v10  }
0x24: {  	vm5 =	vlt.s32 v11, $0x0;
	v15 =	vxor.u32 $0x7FFFFFC0, v11;
	v16 =	vxor.u32 $0x7FFFFFC0, v12  }
0x25: {  	v17 =	vxor.u32 $0x7FFFFFC0, v13;
	v14 =	vsel vm4, v14, v10;
	vm4 =	vlt.s32 v12, $0x0  }
0x26: {  	v15 =	vsel vm5, v15, v11;
	vm5 =	vlt.s32 v13, $0x0;
	v14 =	vand.u32 $0xFFFFFFC0, v14  }
0x27: {  	v17 =	vsel vm5, v17, v13;
	v15 =	vand.u32 $0xFFFFFFC0, v15;
	v14 =	vor.u32 v4, v14  }
0x28: {  	v17 =	vand.u32 $0xFFFFFFC0, v17;
	v15 =	vor.u32 v3, v15;
	v18 =	vxor.u32 $0x80000000, v14  }
0x29: {  	v16 =	vsel vm4, v16, v12;
	v17 =	vor.u32 v1, v17;
	v19 =	vxor.u32 $0x80000000, v15;
	(xrf1) =	vsort.dscd.msk.u32 $0xffff, v18, v14  }
0x2a: {  	v14 =	vand.u32 $0xFFFFFFC0, v16;
	v16 =	vxor.u32 $0x80000000, v17;
	(xrf1) =	vsort.dscd.msk.u32 $0xffff, v19, v15  }
0x2b: {  	v14 =	vor.u32 v0, v14;
	(xrf1) =	vsort.dscd.msk.u32 $0xffff, v16, v17  }
0x2c: {  	v15 =	vxor.u32 $0x80000000, v14  }
0x2d: {  	(xrf1) =	vsort.dscd.msk.u32 $0xffff, v15, v14;
	_ =	sdelay $0x9  }
0x2e: {  	v14, _, _ =	vpop (xrf1)  }
0x2f: {  	v14 =	vxor.u32 $0x80000000, v14;
	v15, _, _ =	vpop (xrf1)  }
0x30: {  	v14 =	vperm.xlane v14, v4;
	v16, _, _ =	vpop (xrf1)  }
0x31: {  	v15 =	vxor.u32 $0x80000000, v15;
	v16 =	vxor.u32 $0x80000000, v16  }
0x32: {  	v17, _, _ =	vpop (xrf1);
	v16 =	vperm.xlane v16, v4;
	vm4 =	vgt.s32 v15, v14  }
0x33: {  	v17 =	vxor.u32 $0x80000000, v17;
	v14 =	vsel vm4, v15, v14  }
0x34: {  	vm4 =	vgt.s32 v17, v16;
	v15 =	vperm.xlane v14, v2  }
0x35: {  	v16 =	vsel vm4, v17, v16  }
0x36: {  	v17 =	vperm.xlane v16, v2;
	vm4 =	vgt.s32 v14, v15  }
0x37: {  	v18 =	vsel vm4, v14, v15;
	v14 =	vsel vm4, v15, v14  }
0x38: {  	vm4 =	vgt.s32 v16, v17;
	v14 =	vsel vm2, v18, v14  }
0x39: {  	v15 =	vsel vm4, v16, v17;
	v16 =	vsel vm4, v17, v16;
	v17 =	vperm.xlane v14, v5  }
0x3a: {  	v15 =	vsel vm2, v15, v16  }
0x3b: {  	v16 =	vperm.xlane v15, v5;
	vm4 =	vgt.s32 v14, v17  }
0x3c: {  	v18 =	vsel vm4, v14, v17;
	v14 =	vsel vm4, v17, v14  }
0x3d: {  	vm4 =	vgt.s32 v15, v16;
	v14 =	vsel vm0, v18, v14  }
0x3e: {  	v17 =	vsel vm4, v15, v16;
	v15 =	vsel vm4, v16, v15;
	v16 =	vperm.xlane v14, v6  }
0x3f: {  	v15 =	vsel vm0, v17, v15  }
0x40: {  	v17 =	vperm.xlane v15, v6;
	vm4 =	vgt.s32 v14, v16  }
0x41: {  	v18 =	vsel vm4, v14, v16;
	v14 =	vsel vm4, v16, v14  }
0x42: {  	vm4 =	vgt.s32 v15, v17;
	v14 =	vsel vm1, v18, v14  }
0x43: {  	v16 =	vsel vm4, v15, v17;
	v15 =	vsel vm4, v17, v15;
	v17 =	vperm.xlane v14, v7  }
0x44: {  	v15 =	vsel vm1, v16, v15  }
0x45: {  	v16 =	vperm.xlane v15, v7;
	vm4 =	vgt.s32 v14, v17  }
0x46: {  	v18 =	vsel vm4, v14, v17;
	v14 =	vsel vm4, v17, v14  }
0x47: {  	vm4 =	vgt.s32 v15, v16;
	v14 =	vsel vm3, v18, v14  }
0x48: {  	v17 =	vsel vm4, v15, v16;
	v15 =	vsel vm4, v16, v15;
	v14 =	vperm.xlane v14, v4  }
0x49: {  	v15 =	vsel vm3, v17, v15  }
0x4a: {  	vm4 =	vgt.s32 v15, v14  }
0x4b: {  	v14 =	vsel vm4, v15, v14  }
0x4c: {  	v15 =	vperm.xlane v14, v2;
	_ =	sdelay $0x1  }
0x4d: {  	vm4 =	vgt.s32 v14, v15  }
0x4e: {  	v16 =	vsel vm4, v14, v15;
	v14 =	vsel vm4, v15, v14  }
0x4f: {  	v14 =	vsel vm2, v16, v14  }
0x50: {  	v15 =	vperm.xlane v14, v5;
	_ =	sdelay $0x1  }
0x51: {  	vm4 =	vgt.s32 v14, v15  }
0x52: {  	v16 =	vsel vm4, v14, v15;
	v14 =	vsel vm4, v15, v14  }
0x53: {  	v14 =	vsel vm0, v16, v14  }
0x54: {  	v15 =	vperm.xlane v14, v6;
	_ =	sdelay $0x1  }
0x55: {  	vm4 =	vgt.s32 v14, v15  }
0x56: {  	v16 =	vsel vm4, v14, v15;
	v14 =	vsel vm4, v15, v14  }
0x57: {  	v14 =	vsel vm1, v16, v14  }
0x58: {  	v15 =	vperm.xlane v14, v7;
	_ =	sdelay $0x1  }
0x59: {  	vm4 =	vgt.s32 v14, v15  }
0x5a: {  	v16 =	vsel vm4, v14, v15;
	v14 =	vsel vm4, v15, v14  }
0x5b: {  	v14 =	vsel vm3, v16, v14  }
0x5c: {  	v15 =	vand.u32 $0xFFFFFFC0, v14  }
0x5d: {  	vm4 =	vlt.s32 v14, $0x0;
	v16 =	vxor.u32 $0x7FFFFFFF, v15  }
0x5e: {  	v15 =	vsel vm4, v16, v15  }
0x5f: {  	(xrf0) =	vmax.scan.msk.f32 $0xffff, v15;
	_ =	sdelay $0x5  }
0x60: {  	v16, _, _ =	vpop (xrf0)  }
0x61: {  	v16 =	vbroadcast v16, $0xF;
	_ =	sdelay $0x1  }
0x62: {  	v15 =	vsub.f32 v15, v16;
	_ =	sdelay $0x1  }
0x63: {  	v15 =	vmul.f32 $1.442695020e+00, v15;
	_ =	sdelay $0x1  }
0x64: {  	(erf) = vpow2.f32 v15;
	_ =	sdelay $0x6  }
0x65: {  	v13 =	vsub.f32 v13, v16;
	_ =	sdelay $0x1  }
0x66: {  	v13 =	vmul.f32 $1.442695020e+00, v13;
	v15 =	vpop (erf)  }
0x67: {  	v19 =	vnsel vm2, $0x0, v15  }
0x68: {  	v12 =	vsub.f32 v12, v16;
	(erf) = vpow2.f32 v13;
	(xrf2) =	vadd.scan.msk.f32 $0xffff, v19;
	_ =	sdelay $0x1  }
0x69: {  	v12 =	vmul.f32 $1.442695020e+00, v12  }
0x6a: {  	v11 =	vsub.f32 v11, v16  }
0x6b: {  	v10 =	vsub.f32 v10, v16;
	(erf) = vpow2.f32 v12  }
0x6c: {  	v11 =	vmul.f32 $1.442695020e+00, v11  }
0x6d: {  	v10 =	vmul.f32 $1.442695020e+00, v10  }
0x6e: {  	(erf) = vpow2.f32 v11;
	_ =	sdelay $0x1  }
0x6f: {  	v15 =	vpop (erf)  }
0x70: {  	(erf) = vpow2.f32 v10;
	v10, _, _ =	vpop (xrf2);
	(xrf2) =	vadd.scan.msk.f32 $0xffff, v15;
	_ =	sdelay $0x2  }
0x71: {  	v18 =	vpop (erf)  }
0x72: {  	v10 =	vbroadcast v10, $0xF;
	(xrf2) =	vadd.scan.msk.f32 $0xffff, v18;
	_ =	sdelay $0x1  }
0x73: {  	v16 =	vpop (erf);
	(erf) = vrcp.f32 v10  }
0x74: {  	(xrf2) =	vadd.scan.msk.f32 $0xffff, v16;
	_ =	sdelay $0x1  }
0x75: {  	v17 =	vpop (erf)  }
0x76: {  	(xrf2) =	vadd.scan.msk.f32 $0xffff, v17;
	v12, _, _ =	vpop (xrf2)  }
0x77: {  	(v2sf) =	vpush v12, $0xF;
	_ =	sdelay $0x2  }
0x78: {  	v12, _, _ =	vpop (xrf2)  }
0x79: {  	v11 =	vpop (erf);
	(v2sf) =	vpush v12, $0xF  }
0x7a: {  	v11 =	vmul.f32 v11, v19  }
0x7b: {  	v10 =	vandn.u32 $0x3F, v14;
	v12, _, _ =	vpop (xrf2)  }
0x7c: {  	(v2sf) =	vpush v12, $0xF  }
0x7d: {  	s31 =	simm.s32 $0x0  }
0x7e: {  	[tilespmem:s31+$0x8000] =	vst.msk $0xff, v11;
	v11, _, _ =	vpop (xrf2)  }
0x7f: {  	[tilespmem:s31+$0x8880] =	vst.msk $0xff, v10;
	(v2sf) =	vpush v11, $0xF  }
0x80: {  	s15 =	simm.s32 $0xA0;
	[tilespmem:v10+s9+$0x0] =	vst.idx.add.f32.msk $0xff, v8  }
0x81: {  	v13 =	vld [tilespmem:s15+$0xFFFFFFE0]  }
0x82: {  	s16 =	simm.s32 $0x40;
	s14 =	simm.s32 $0x20;
	v12 =	vimm.f32 $0.0e+00;
	v10 =	vimm.f32 $0.0e+00;
	v14 =	vld [tilespmem:s15+$0xFFFFFFF0];
	v11 =	vimm.f32 $0.0e+00  }
.LBB2_2:
0x83: {  	p0 =	sne.s32 s16, $0x1FE0  }
0x84: {  	v19 =	vld [tilespmem:s15+$0x10];
	s18 =	spop (v2sf);
	s17 =	smov.u32 s16;
	s16 =	sadd.s32 $0x20, s16  }
0x85: {  	v20 =	vld [tilespmem:s15+$0x0];
	_ =	sdelay $0x1  }
0x86: {  	vm4 =	vlt.s32 v13, $0x0;
	v21 =	vxor.u32 $0x7FFFFFC0, v13  }
0x87: {  	v21 =	vsel vm4, v21, v13;
	vm4 =	vlt.s32 v14, $0x0;
	v22 =	vxor.u32 $0x7FFFFFC0, v14;
	s19 =	spop (v2sf)  }
0x88: {  	v22 =	vsel vm4, v22, v14;
	vm4 =	vlt.s32 v19, $0x0;
	v23 =	vxor.u32 $0x7FFFFFC0, v19;
	s18 =	sadd.f32 s18, s19  }
0x89: {  	vm5 =	vlt.s32 v20, $0x0;
	v24 =	vxor.u32 $0x7FFFFFC0, v20;
	v23 =	vsel vm4, v23, v19  }
0x8a: {  	v21 =	vand.u32 $0xFFFFFFC0, v21;
	v24 =	vsel vm5, v24, v20;
	v23 =	vand.u32 $0xFFFFFFC0, v23;
	s19 =	spop (v2sf)  }
0x8b: {  	v21 =	vor.u32 v0, v21;
	v24 =	vand.u32 $0xFFFFFFC0, v24;
	v23 =	vor.u32 v4, v23;
	s18 =	sadd.f32 s18, s19  }
0x8c: {  	v22 =	vand.u32 $0xFFFFFFC0, v22;
	v24 =	vor.u32 v3, v24;
	v25 =	vxor.u32 $0x80000000, v23  }
0x8d: {  	v22 =	vor.u32 v1, v22;
	v26 =	vxor.u32 $0x80000000, v24;
	(xrf1) =	vsort.dscd.msk.u32 $0xffff, v25, v23;
	s19 =	spop (v2sf)  }
0x8e: {  	v23 =	vxor.u32 $0x80000000, v21;
	v25 =	vxor.u32 $0x80000000, v22;
	(xrf1) =	vsort.dscd.msk.u32 $0xffff, v26, v24;
	s18 =	sadd.f32 s18, s19  }
0x8f: {  	(xrf1) =	vsort.dscd.msk.u32 $0xffff, v25, v22  }
0x90: {  	(xrf1) =	vsort.dscd.msk.u32 $0xffff, v23, v21;
	v21 =	vmov s18  }
0x91: {  	(erf) = vrcp.f32 v21;
	_ =	sdelay $0x8  }
0x92: {  	v21 =	vpop (erf)  }
0x93: {  	v22, _, _ =	vpop (xrf1);
	v18 =	vmul.f32 v21, v18;
	v15 =	vmul.f32 v21, v15  }
0x94: {  	v16 =	vmul.f32 v21, v16;
	v17 =	vmul.f32 v21, v17;
	v24 =	vxor.u32 $0x80000000, v22;
	v23, _, _ =	vpop (xrf1)  }
0x95: {  	v21 =	vperm.xlane v24, v4;
	v22, _, _ =	vpop (xrf1);
	v9 =	vadd.f32 v18, v9;
	v12 =	vadd.f32 v15, v12  }
0x96: {  	v18 =	vxor.u32 $0x80000000, v23;
	v11 =	vadd.f32 v16, v11;
	v15 =	vxor.u32 $0x80000000, v22;
	v22, _, _ =	vpop (xrf1)  }
0x97: {  	v10 =	vadd.f32 v17, v10;
	v15 =	vperm.xlane v15, v4;
	vm4 =	vgt.s32 v18, v21  }
0x98: {  	v16 =	vxor.u32 $0x80000000, v22;
	v17 =	vsel vm4, v18, v21  }
0x99: {  	vm4 =	vgt.s32 v16, v15;
	v18 =	vperm.xlane v17, v2  }
0x9a: {  	v15 =	vsel vm4, v16, v15  }
0x9b: {  	v16 =	vperm.xlane v15, v2;
	vm4 =	vgt.s32 v17, v18  }
0x9c: {  	v21 =	vsel vm4, v17, v18;
	v17 =	vsel vm4, v18, v17  }
0x9d: {  	vm4 =	vgt.s32 v15, v16;
	v17 =	vsel vm2, v21, v17  }
0x9e: {  	v18 =	vsel vm4, v15, v16;
	v15 =	vsel vm4, v16, v15;
	v16 =	vperm.xlane v17, v5  }
0x9f: {  	v15 =	vsel vm2, v18, v15  }
0xa0: {  	v18 =	vperm.xlane v15, v5;
	vm4 =	vgt.s32 v17, v16  }
0xa1: {  	v21 =	vsel vm4, v17, v16;
	v16 =	vsel vm4, v16, v17  }
0xa2: {  	vm4 =	vgt.s32 v15, v18;
	v16 =	vsel vm0, v21, v16  }
0xa3: {  	v17 =	vsel vm4, v15, v18;
	v15 =	vsel vm4, v18, v15;
	v18 =	vperm.xlane v16, v6  }
0xa4: {  	v15 =	vsel vm0, v17, v15  }
0xa5: {  	v17 =	vperm.xlane v15, v6;
	vm4 =	vgt.s32 v16, v18  }
0xa6: {  	v21 =	vsel vm4, v16, v18;
	v16 =	vsel vm4, v18, v16  }
0xa7: {  	vm4 =	vgt.s32 v15, v17;
	v16 =	vsel vm1, v21, v16  }
0xa8: {  	v18 =	vsel vm4, v15, v17;
	v15 =	vsel vm4, v17, v15;
	v17 =	vperm.xlane v16, v7  }
0xa9: {  	v15 =	vsel vm1, v18, v15  }
0xaa: {  	v18 =	vperm.xlane v15, v7;
	vm4 =	vgt.s32 v16, v17  }
0xab: {  	v21 =	vsel vm4, v16, v17;
	v16 =	vsel vm4, v17, v16  }
0xac: {  	vm4 =	vgt.s32 v15, v18;
	v16 =	vsel vm3, v21, v16  }
0xad: {  	v17 =	vsel vm4, v15, v18;
	v15 =	vsel vm4, v18, v15;
	v16 =	vperm.xlane v16, v4  }
0xae: {  	v15 =	vsel vm3, v17, v15  }
0xaf: {  	vm4 =	vgt.s32 v15, v16  }
0xb0: {  	v15 =	vsel vm4, v15, v16  }
0xb1: {  	v16 =	vperm.xlane v15, v2;
	_ =	sdelay $0x1  }
0xb2: {  	vm4 =	vgt.s32 v15, v16  }
0xb3: {  	v17 =	vsel vm4, v15, v16;
	v15 =	vsel vm4, v16, v15  }
0xb4: {  	v15 =	vsel vm2, v17, v15  }
0xb5: {  	v16 =	vperm.xlane v15, v5;
	_ =	sdelay $0x1  }
0xb6: {  	vm4 =	vgt.s32 v15, v16  }
0xb7: {  	v17 =	vsel vm4, v15, v16;
	v15 =	vsel vm4, v16, v15  }
0xb8: {  	v15 =	vsel vm0, v17, v15  }
0xb9: {  	v16 =	vperm.xlane v15, v6;
	_ =	sdelay $0x1  }
0xba: {  	vm4 =	vgt.s32 v15, v16  }
0xbb: {  	v17 =	vsel vm4, v15, v16;
	v15 =	vsel vm4, v16, v15  }
0xbc: {  	v15 =	vsel vm1, v17, v15  }
0xbd: {  	v16 =	vperm.xlane v15, v7;
	_ =	sdelay $0x1  }
0xbe: {  	vm4 =	vgt.s32 v15, v16  }
0xbf: {  	v17 =	vsel vm4, v15, v16;
	v15 =	vsel vm4, v16, v15  }
0xc0: {  	v21 =	vsel vm3, v17, v15  }
0xc1: {  	v15 =	vand.u32 $0xFFFFFFC0, v21  }
0xc2: {  	vm4 =	vlt.s32 v21, $0x0;
	v16 =	vxor.u32 $0x7FFFFFFF, v15  }
0xc3: {  	v15 =	vsel vm4, v16, v15  }
0xc4: {  	(xrf0) =	vmax.scan.msk.f32 $0xffff, v15;
	_ =	sdelay $0x5  }
0xc5: {  	v16, _, _ =	vpop (xrf0)  }
0xc6: {  	v16 =	vbroadcast v16, $0xF;
	_ =	sdelay $0x1  }
0xc7: {  	v15 =	vsub.f32 v15, v16;
	v13 =	vsub.f32 v13, v16  }
0xc8: {  	v14 =	vsub.f32 v14, v16;
	v17 =	vsub.f32 v20, v16  }
0xc9: {  	v16 =	vsub.f32 v19, v16;
	v15 =	vmul.f32 $1.442695020e+00, v15;
	v13 =	vmul.f32 $1.442695020e+00, v13  }
0xca: {  	v14 =	vmul.f32 $1.442695020e+00, v14;
	v17 =	vmul.f32 $1.442695020e+00, v17  }
0xcb: {  	v16 =	vmul.f32 $1.442695020e+00, v16;
	(erf) = vpow2.f32 v15  }
0xcc: {  	(erf) = vpow2.f32 v14;
	_ =	sdelay $0x6  }
0xcd: {  	(erf) = vpow2.f32 v13  }
0xce: {  	v13 =	vpop (erf)  }
0xcf: {  	v13 =	vnsel vm2, $0x0, v13;
	v15 =	vpop (erf);
	(erf) = vpow2.f32 v17  }
0xd0: {  	(xrf2) =	vadd.scan.msk.f32 $0xffff, v13;
	_ =	sdelay $0x1  }
0xd1: {  	(erf) = vpow2.f32 v16  }
0xd2: {  	(xrf2) =	vadd.scan.msk.f32 $0xffff, v15;
	_ =	sdelay $0x2  }
0xd3: {  	v18 =	vpop (erf)  }
0xd4: {  	(xrf2) =	vadd.scan.msk.f32 $0xffff, v18  }
0xd5: {  	v16 =	vpop (erf);
	_ =	sdelay $0x1  }
0xd6: {  	v14, _, _ =	vpop (xrf2);
	(xrf2) =	vadd.scan.msk.f32 $0xffff, v16  }
0xd7: {  	v19 =	vbroadcast v14, $0xF;
	v17 =	vpop (erf)  }
0xd8: {  	s15 =	sadd.s32 $0x80, s15  }
0xd9: {  	(erf) = vrcp.f32 v19;
	v14, _, _ =	vpop (xrf2);
	(xrf2) =	vadd.scan.msk.f32 $0xffff, v17  }
0xda: {  	(v2sf) =	vpush v14, $0xF;
	_ =	sdelay $0x2  }
0xdb: {  	v14, _, _ =	vpop (xrf2)  }
0xdc: {  	(v2sf) =	vpush v14, $0xF;
	_ =	sdelay $0x1  }
0xdd: {  	v14, _, _ =	vpop (xrf2)  }
0xde: {  	s18 =	sshra.s32 s14, $0x2;
	s14 =	smov.u32 s17;
	v19 =	vandn.u32 $0x3F, v21;
	(v2sf) =	vpush v14, $0xF  }
0xdf: {  	[tilespmem:s18+$0x8880] =	vst.msk $0xff, v19;
	v14 =	vpop (erf)  }
0xe0: {  	v13 =	vmul.f32 v14, v13;
	v14, _, _ =	vpop (xrf2)  }
.Ltmp0:
0xe1: {  	(v2sf) =	vpush v14, $0xF;
	(pc) =	sbr.rel @p0 .LBB2_2-.Ltmp0, $4  }
0xe2: {  	[tilespmem:s18+$0x8000] =	vst.msk $0xff, v13  }
0xe3: {  	[tilespmem:v19+s9+$0x0] =	vst.idx.add.f32.msk $0xff, v8  }
0xe4: {  	v13 =	vld [tilespmem:s15+$0xFFFFFFE0]  }
0xe5: {  	v14 =	vld [tilespmem:s15+$0xFFFFFFF0]  }
0xe6: {  	v19 =	vld [tilespmem:s15+$0x10]  }
0xe7: {  	v20 =	vld [tilespmem:s15+$0x0];
	_ =	sdelay $0x3  }
0xe8: {  	v23 =	vxor.u32 $0x7FFFFFC0, v13;
	v24 =	vxor.u32 $0x7FFFFFC0, v14  }
0xe9: {  	vm4 =	vlt.s32 v19, $0x0;
	v21 =	vxor.u32 $0x7FFFFFC0, v19;
	vm5 =	vlt.s32 v20, $0x0  }
0xea: {  	v22 =	vxor.u32 $0x7FFFFFC0, v20;
	v21 =	vsel vm4, v21, v19;
	vm4 =	vlt.s32 v13, $0x0  }
0xeb: {  	v22 =	vsel vm5, v22, v20;
	vm5 =	vlt.s32 v14, $0x0;
	v21 =	vand.u32 $0xFFFFFFC0, v21  }
0xec: {  	v24 =	vsel vm5, v24, v14;
	v22 =	vand.u32 $0xFFFFFFC0, v22;
	v21 =	vor.u32 v4, v21  }
0xed: {  	v24 =	vand.u32 $0xFFFFFFC0, v24;
	v22 =	vor.u32 v3, v22;
	v25 =	vxor.u32 $0x80000000, v21  }
0xee: {  	v23 =	vsel vm4, v23, v13;
	v24 =	vor.u32 v1, v24;
	v26 =	vxor.u32 $0x80000000, v22;
	(xrf1) =	vsort.dscd.msk.u32 $0xffff, v25, v21  }
0xef: {  	v52 =	vand.u32 $0xFFFFFFC0, v23;
	v53 =	vxor.u32 $0x80000000, v24;
	(xrf1) =	vsort.dscd.msk.u32 $0xffff, v26, v22  }
0xf0: {  	v21 =	vor.u32 v0, v52;
	(xrf1) =	vsort.dscd.msk.u32 $0xffff, v53, v24  }
0xf1: {  	v54 =	vxor.u32 $0x80000000, v21  }
0xf2: {  	(xrf1) =	vsort.dscd.msk.u32 $0xffff, v54, v21;
	_ =	sdelay $0x9  }
0xf3: {  	v55, _, _ =	vpop (xrf1)  }
0xf4: {  	v21 =	vxor.u32 $0x80000000, v55;
	v56, _, _ =	vpop (xrf1)  }
0xf5: {  	v21 =	vperm.xlane v21, v4;
	v23, _, _ =	vpop (xrf1)  }
0xf6: {  	v22 =	vxor.u32 $0x80000000, v56;
	v23 =	vxor.u32 $0x80000000, v23  }
0xf7: {  	v57, _, _ =	vpop (xrf1);
	v23 =	vperm.xlane v23, v4;
	vm4 =	vgt.s32 v22, v21  }
0xf8: {  	v24 =	vxor.u32 $0x80000000, v57;
	v21 =	vsel vm4, v22, v21  }
0xf9: {  	vm4 =	vgt.s32 v24, v23;
	v22 =	vperm.xlane v21, v2  }
0xfa: {  	v23 =	vsel vm4, v24, v23  }
0xfb: {  	v24 =	vperm.xlane v23, v2;
	vm4 =	vgt.s32 v21, v22  }
0xfc: {  	v58 =	vsel vm4, v21, v22;
	v21 =	vsel vm4, v22, v21  }
0xfd: {  	vm4 =	vgt.s32 v23, v24;
	v21 =	vsel vm2, v58, v21  }
0xfe: {  	v59 =	vsel vm4, v23, v24;
	v23 =	vsel vm4, v24, v23;
	v60 =	vperm.xlane v21, v5  }
0xff: {  	v22 =	vsel vm2, v59, v23  }
0x100: {  	v23 =	vperm.xlane v22, v5;
	vm4 =	vgt.s32 v21, v60  }
0x101: {  	v25 =	vsel vm4, v21, v60;
	v21 =	vsel vm4, v60, v21  }
0x102: {  	vm4 =	vgt.s32 v22, v23;
	v21 =	vsel vm0, v25, v21  }
0x103: {  	v61 =	vsel vm4, v22, v23;
	v22 =	vsel vm4, v23, v22;
	v62 =	vperm.xlane v21, v6  }
0x104: {  	v22 =	vsel vm0, v61, v22  }
0x105: {  	v24 =	vperm.xlane v22, v6;
	vm4 =	vgt.s32 v21, v62  }
0x106: {  	v25 =	vsel vm4, v21, v62;
	v21 =	vsel vm4, v62, v21  }
0x107: {  	vm4 =	vgt.s32 v22, v24;
	v21 =	vsel vm1, v25, v21  }
0x108: {  	v63 =	vsel vm4, v22, v24;
	v22 =	vsel vm4, v24, v22;
	v28 =	vperm.xlane v21, v7  }
0x109: {  	v22 =	vsel vm1, v63, v22  }
0x10a: {  	v23 =	vperm.xlane v22, v7;
	vm4 =	vgt.s32 v21, v28  }
0x10b: {  	v25 =	vsel vm4, v21, v28;
	v21 =	vsel vm4, v28, v21  }
0x10c: {  	vm4 =	vgt.s32 v22, v23;
	v21 =	vsel vm3, v25, v21  }
0x10d: {  	v29 =	vsel vm4, v22, v23;
	v22 =	vsel vm4, v23, v22;
	v21 =	vperm.xlane v21, v4  }
0x10e: {  	v22 =	vsel vm3, v29, v22  }
0x10f: {  	vm4 =	vgt.s32 v22, v21  }
0x110: {  	v21 =	vsel vm4, v22, v21  }
0x111: {  	v22 =	vperm.xlane v21, v2;
	_ =	sdelay $0x1  }
0x112: {  	vm4 =	vgt.s32 v21, v22  }
0x113: {  	v30 =	vsel vm4, v21, v22;
	v21 =	vsel vm4, v22, v21  }
0x114: {  	v21 =	vsel vm2, v30, v21  }
0x115: {  	v31 =	vperm.xlane v21, v5;
	_ =	sdelay $0x1  }
0x116: {  	vm4 =	vgt.s32 v21, v31  }
0x117: {  	v23 =	vsel vm4, v21, v31;
	v21 =	vsel vm4, v31, v21  }
0x118: {  	v21 =	vsel vm0, v23, v21  }
0x119: {  	v32 =	vperm.xlane v21, v6;
	_ =	sdelay $0x1  }
0x11a: {  	vm4 =	vgt.s32 v21, v32  }
0x11b: {  	v23 =	vsel vm4, v21, v32;
	v21 =	vsel vm4, v32, v21  }
0x11c: {  	v21 =	vsel vm1, v23, v21  }
0x11d: {  	v33 =	vperm.xlane v21, v7;
	_ =	sdelay $0x1  }
0x11e: {  	vm4 =	vgt.s32 v21, v33  }
0x11f: {  	v23 =	vsel vm4, v21, v33;
	v21 =	vsel vm4, v33, v21  }
0x120: {  	v21 =	vsel vm3, v23, v21  }
0x121: {  	v34 =	vand.u32 $0xFFFFFFC0, v21  }
0x122: {  	vm4 =	vlt.s32 v21, $0x0;
	v35 =	vxor.u32 $0x7FFFFFFF, v34  }
0x123: {  	v22 =	vsel vm4, v35, v34  }
0x124: {  	(xrf0) =	vmax.scan.msk.f32 $0xffff, v22;
	_ =	sdelay $0x2  }
0x125: {  	s24 =	spop (v2sf)  }
0x126: {  	s16 =	spop (v2sf)  }
0x127: {  	s15 =	sadd.f32 s24, s16  }
0x128: {  	s25 =	spop (v2sf);
	v36, _, _ =	vpop (xrf0)  }
0x129: {  	s15 =	sadd.f32 s15, s25;
	v23 =	vbroadcast v36, $0xF  }
0x12a: {  	s26 =	spop (v2sf)  }
0x12b: {  	s15 =	sadd.f32 s15, s26;
	v22 =	vsub.f32 v22, v23;
	_ =	sdelay $0x1  }
0x12c: {  	v37 =	vmov s15;
	v38 =	vsub.f32 v14, v23;
	v22 =	vmul.f32 $1.442695020e+00, v22  }
0x12d: {  	(erf) = vrcp.f32 v37;
	v39 =	vsub.f32 v13, v23  }
0x12e: {  	v14 =	vmul.f32 $1.442695020e+00, v38;
	(erf) = vpow2.f32 v22  }
0x12f: {  	v20 =	vsub.f32 v20, v23;
	v13 =	vmul.f32 $1.442695020e+00, v39  }
0x130: {  	(erf) = vpow2.f32 v14  }
0x131: {  	v40 =	vsub.f32 v19, v23;
	v41 =	vmul.f32 $1.442695020e+00, v20;
	(erf) = vpow2.f32 v13;
	_ =	sdelay $0x1  }
0x132: {  	v42 =	vmul.f32 $1.442695020e+00, v40;
	(erf) = vpow2.f32 v41;
	_ =	sdelay $0x1  }
0x133: {  	(erf) = vpow2.f32 v42  }
0x134: {  	v43 =	vpop (erf)  }
0x135: {  	v44 =	vpop (erf)  }
0x136: {  	v14 =	vnsel vm2, $0x0, v44  }
0x137: {  	v45 =	vpop (erf);
	(xrf2) =	vadd.scan.msk.f32 $0xffff, v14  }
0x138: {  	v46 =	vpop (erf);
	(xrf2) =	vadd.scan.msk.f32 $0xffff, v45  }
0x139: {  	(xrf2) =	vadd.scan.msk.f32 $0xffff, v46  }
0x13a: {  	v47 =	vpop (erf)  }
0x13b: {  	(xrf2) =	vadd.scan.msk.f32 $0xffff, v47  }
0x13c: {  	v48 =	vpop (erf)  }
0x13d: {  	(xrf2) =	vadd.scan.msk.f32 $0xffff, v48;
	_ =	sdelay $0x3  }
0x13e: {  	v49, _, _ =	vpop (xrf2)  }
0x13f: {  	v50, _, _ =	vpop (xrf2)  }
0x140: {  	(v2sf) =	vpush v50, $0xF;
	v51, _, _ =	vpop (xrf2)  }
0x141: {  	(v2sf) =	vpush v51, $0xF  }
0x142: {  	v52, _, _ =	vpop (xrf2)  }
0x143: {  	(v2sf) =	vpush v52, $0xF  }
0x144: {  	v53, _, _ =	vpop (xrf2)  }
0x145: {  	(v2sf) =	vpush v53, $0xF;
	_ =	sdelay $0x9  }
0x146: {  	s28 =	spop (v2sf)  }
0x147: {  	s29 =	spop (v2sf)  }
0x148: {  	v24 =	vbroadcast v49, $0xF;
	s15 =	sadd.f32 s28, s29  }
0x149: {  	s30 =	spop (v2sf)  }
0x14a: {  	(erf) = vrcp.f32 v24;
	s15 =	sadd.f32 s15, s30  }
0x14b: {  	s31 =	spop (v2sf)  }
0x14c: {  	s15 =	sadd.f32 s15, s31;
	_ =	sdelay $0x1  }
0x14d: {  	v54 =	vmov s15  }
0x14e: {  	(erf) = vrcp.f32 v54;
	_ =	sdelay $0x2  }
0x14f: {  	v21 =	vandn.u32 $0x3F, v21  }
0x150: {  	v55 =	vpop (erf)  }
0x151: {  	s14 =	sshra.s32 s14, $0x2;
	v14 =	vmul.f32 v55, v14  }
0x152: {  	[tilespmem:s14+$0x8880] =	vst.msk $0xff, v21  }
0x153: {  	[tilespmem:s14+$0x8000] =	vst.msk $0xff, v14  }
0x154: {  	[tilespmem:v21+s9+$0x0] =	vst.idx.add.f32.msk $0xff, v8  }
0x155: {  	[hbm4b:s4+s2] =	stream.linear.scatter [tilespmem:s10], [sflag:$0x1], $0x800, $0x38;
	v56 =	vpop (erf);
	[tilespmem:$0x9200] =	vst v63  }
0x156: {  	_ =	swait.ge [sflag:s8], $0x800  }
0x157: {  	[sflag:s8] =	ssyncset.done $0x0  }
0x158: {  	v18 =	vmul.f32 v43, v18;
	[sflag:s8] =	ssyncadd.s32 $0xFFFFF800  }
0x159: {  	v15 =	vmul.f32 v43, v15;
	[hbm4b:s5+s2] =	stream.linear.scatter [tilespmem:s11], [sflag:$0x1], $0x800, $0x38;
	[tilespmem:$0x9200] =	vst v63  }
0x15a: {  	v16 =	vmul.f32 v43, v16;
	v9 =	vadd.f32 v18, v9;
	v58 =	vmul.f32 v56, v46;
	_ =	swait.ge [sflag:s8], $0x800  }
0x15b: {  	v12 =	vadd.f32 v15, v12;
	v13 =	vmul.f32 v43, v17;
	v60 =	vmul.f32 v56, v45;
	[sflag:s8] =	ssyncset.done $0x0  }
0x15c: {  	v11 =	vadd.f32 v16, v11;
	v62 =	vmul.f32 v56, v47;
	v9 =	vadd.f32 v58, v9;
	[sflag:s8] =	ssyncadd.s32 $0xFFFFF800  }
0x15d: {  	v10 =	vadd.f32 v13, v10;
	v63 =	vmul.f32 v56, v48;
	v12 =	vadd.f32 v60, v12;
	v57 =	vld [tilespmem:$0x9100]  }
0x15e: {  	v11 =	vadd.f32 v62, v11;
	v59 =	vld [tilespmem:$0x9110];
	[tilespmem:$0x91C0] =	vst v9  }
0x15f: {  	v10 =	vadd.f32 v63, v10;
	v61 =	vld [tilespmem:$0x9120];
	[tilespmem:$0x91D0] =	vst v12  }
0x160: {  	v9 =	vld [tilespmem:$0x9130];
	[tilespmem:$0x91E0] =	vst v11  }
0x161: {  	[tilespmem:$0x91F0] =	vst v10  }
0x162: {  	[tilespmem:$0x9180] =	vst v57  }
0x163: {  	s13 =	sadd.s32 $0x1, s13;
	[tilespmem:$0x9190] =	vst v59  }
0x164: {  	p0 =	sne.s32 s13, s7;
	[tilespmem:$0x91A0] =	vst v61  }
.Ltmp1:
0x165: {  	[tilespmem:$0x91B0] =	vst v9;
	(pc) =	sbr.rel @p0 .LBB2_1-.Ltmp1, $4  }
0x166: {  	[hbm4b:s6+s2] =	stream.linear.scatter [tilespmem:s12], [sflag:$0x1], $0x80, $0x38;
	[tilespmem:$0x9200] =	vst v63  }
0x167: {  	_ =	swait.ge [sflag:s8], $0x80  }
0x168: {  	[sflag:s8] =	ssyncset.done $0x0  }
0x169: {  	[sflag:s8] =	ssyncadd.s32 $0xFFFFFF80  }
0x16a: {  	_ =	sfence.sel $0x180000  }
0x16b: {  	[bflag:$0x0] =	sbarrier.arrive $0xFFFF  }
0x16c: {  	p0 =	sne.s32 s0, $0x0;
	_ =	strace $0x90000047  }
0x16d: {  	s0 =	sadd.s32 @!p0 $0x100000, s1;
	[bflag:$0x2] =	sbarrier.arrive $0xFFFF  }
0x16e: {  	[sflag:s0] =	ssyncadd.tile.s32 @!p0 $0x1;
	_ =	shalt  }
.Lfunc_end2:
_tile_overlayer_lowered:
.L_overlay_start_2:
0x16f: {  	(tag) =	ssettag $0x2  }
0x170: {  	s0 =	rddreg [dreg:$0x0];
	s2 =	stileid.u32  }
0x171: {  	s1 =	rddreg [dreg:$0x1];
	p0 =	sne.s32 s2, $0x0  }
0x172: {  	s3 =	rddreg [dreg:$0x2];
	[bflag:$0x3] =	sbarrier.arrive $0xFFFF;
	s2 =	simm.s32 @!p0 $0x1C01  }
0x173: {  	[timem:s3], [sflag:s2] =	dma.local @!p0 [hbm:s0], s1  }
0x174: {  	s0 =	simm.s32 @!p0 $0x1  }
0x175: {  	_ =	swait.ge @!p0 [sflag:s0], s1  }
0x176: {  	s1 =	ssub.s32 @!p0 $0x0, s1;
	[sflag:s0] =	ssyncset.done @!p0 $0x0  }
0x177: {  	[sflag:s0] =	ssyncadd.s32 @!p0 s1  }
0x178: {  	[bflag:$0x3] =	sbarrier.arrive $0xFFFF  }
0x179: {  	_ =	shalt  }

// kernel: kernel.7.cloned.1.call-start
scs
__scs_entry_jumppad:
0x0: {  	(pc) =	sbr.rel $0x88, $3  }
0x1: {  	(tag) =	ssettag $0x0;
	lr =	simm.s32 $0x1  }
0x2: {  	[smem:$0x3F9F] =	sst lr;
	_ =	strace $0xD0000000  }
0x3: {  	_ = 	snop  }
0x4: {  	_ = 	snop  }
0x5: {  	_ = 	snop  }
0x6: {  	_ = 	snop  }
0x7: {  	_ = 	snop  }
__scs_overlays_trampoline_lowered:
0x8: {  	[smem:$0x3FAE] =	sst s0  }
0x9: {  	[smem:$0x3FAF] =	sst s1  }
0xa: {  	[smem:$0x3FB0] =	sst s2  }
0xb: {  	[smem:$0x3FB1] =	sst s3  }
0xc: {  	[smem:$0x3FB2] =	sst s4  }
0xd: {  	[smem:$0x3FB3] =	sst s5  }
0xe: {  	[smem:$0x3FB4] =	sst s6  }
0xf: {  	[smem:$0x3FB5] =	sst s7  }
0x10: {  	[smem:$0x3FB6] =	sst s8  }
0x11: {  	[smem:$0x3FB7] =	sst s9;
	s0 =	simm.s32 @!p0 $0x0  }
0x12: {  	s1 =	sld [smem:$0x3F9D];
	s0 =	simm.s32 @p0 $0x1  }
0x13: {  	[smem:$0x3FB8] =	sst s0;
	s0 =	simm.s32 @!p1 $0x0  }
0x14: {  	s2 =	sld [smem:$0x3F9C];
	s0 =	simm.s32 @p1 $0x1  }
0x15: {  	[smem:$0x3FB9] =	sst s0;
	s0 =	simm.s32 @!p2 $0x0  }
0x16: {  	s3 =	sld [smem:$0x3FDB];
	s0 =	simm.s32 @p2 $0x1  }
0x17: {  	s4 =	simm.s32 $0x1BF5;
	[smem:$0x3FBB] =	sst s0  }
0x18: {  	s0 =	sld [smem:$0x3F9E];
	_ =	swait.ge [sflag:s4], $0x0  }
0x19: {  	s7 =	sld [smem:$0x3F9F]  }
0x1a: {  	s8 =	sadd.s32 $0xFFFFE003, lr  }
0x1b: {  	s9 =	sadd.s32 $0xFFFFFEF7, lr;
	s5 =	simm.s32 $0xFFFFFFFF;
	p2 =	slt.u32 s8, $0xFFFFF086  }
0x1c: {  	p1 =	slt.u32 s9, $0xF7A;
	s5 =	simm.s32 @!p2 $0x0  }
0x1d: {  	s5 =	simm.s32 @p1 $0x1;
	p0 =	seq.s32 s7, s2  }
0x1e: {  	s7 =	smul.u32 @!p0 $0xF7A, s2;
	p2 =	seq.s32 @!p0 s5, $0x0  }
0x1f: {  	s9 =	smul.u32 $0xF7A, s1;
	s8 =	simm.s32 @!p0 $0x1BF5;
	p2 =	por !p2, p0  }
0x20: {  	[sflag:s8] =	ssyncset.s32 @!p0 $0xFFFFF086;
	s6 =	sadd.s32 @!p0 s3, s7;
	s7 =	simm.s32 @!p0 $0x108  }
0x21: {  	s3 =	sadd.s32 s3, s9;
	s6 =	sadd.s32 @!p0 $0x88, s6;
	s7 =	simm.s32 @p2 $0x1082  }
0x22: {  	[simem:s7], [sflag:s8] =	dma.local @!p0 [hbm:s6], $0xF7A  }
0x23: {  	s9 =	sor.u32 $0xD0000000, s2;
	s6 =	simm.s32 $0x108;
	_ =	swait.ge @!p0 [sflag:s8], $0x0  }
0x24: {  	s3 =	sadd.s32 $0x88, s3;
	s6 =	simm.s32 @!p1 $0x1082;
	[sflag:s4] =	ssyncset.s32 $0xFFFFF086  }
0x25: {  	[simem:s6], [sflag:s4] =	dma.local [hbm:s3], $0xF7A  }
0x26: {  	[smem:$0x3F9F] =	sst s1;
	(tag) =	ssettag s2;
	_ =	strace s9  }
0x27: {  	s1 =	sld [smem:$0x3FAF]  }
0x28: {  	s2 =	sld [smem:$0x3FB0]  }
0x29: {  	s4 =	sld [smem:$0x3FB2]  }
0x2a: {  	p0 =	seq.s32 s5, $0x0;
	s5 =	sld [smem:$0x3FB3]  }
0x2b: {  	s6 =	sld [smem:$0x3FB4]  }
0x2c: {  	s7 =	sld [smem:$0x3FB5]  }
0x2d: {  	s3 =	simm.s32 $0x108;
	s8 =	sld [smem:$0x3FB6]  }
0x2e: {  	s3 =	simm.s32 @!p0 $0x1082;
	s9 =	sld [smem:$0x3FB7]  }
0x2f: {  	lr =	sadd.s32 s0, s3;
	s0 =	sld [smem:$0x3FAE]  }
0x30: {  	s3 =	sld [smem:$0x3FB1]  }
0x31: {  	[smem:$0x3FBA] =	sst s10  }
0x32: {  	s10 =	sld [smem:$0x3FB8];
	_ =	sdelay $0x3  }
0x33: {  	p0 =	seq.s32 s10, $0x1;
	s10 =	sld [smem:$0x3FBA];
	_ =	sdelay $0x3  }
0x34: {  	[smem:$0x3FBA] =	sst s10  }
0x35: {  	s10 =	sld [smem:$0x3FB9];
	_ =	sdelay $0x3  }
0x36: {  	p1 =	seq.s32 s10, $0x1;
	s10 =	sld [smem:$0x3FBA];
	_ =	sdelay $0x3  }
0x37: {  	[smem:$0x3FBA] =	sst s10  }
0x38: {  	s10 =	sld [smem:$0x3FBB]  }
0x39: {  	_ = 	snop;
	(pc) =	sbr.ind lr, $3  }
0x3a: {  	_ = 	snop  }
0x3b: {  	_ = 	snop  }
0x3c: {  	p2 =	seq.s32 s10, $0x1;
	s10 =	sld [smem:$0x3FBA]  }
0x3d: {  	_ =	shalt  }
0x3e: {  	_ =	shalt  }
0x3f: {  	_ =	shalt  }
0x40: {  	_ =	shalt  }
0x41: {  	_ =	shalt  }
0x42: {  	_ =	shalt  }
0x43: {  	_ =	shalt  }
0x44: {  	_ =	shalt  }
0x45: {  	_ =	shalt  }
0x46: {  	_ =	shalt  }
0x47: {  	_ =	shalt  }
0x48: {  	_ =	shalt  }
0x49: {  	_ =	shalt  }
0x4a: {  	_ =	shalt  }
0x4b: {  	_ =	shalt  }
0x4c: {  	_ =	shalt  }
0x4d: {  	_ =	shalt  }
0x4e: {  	_ =	shalt  }
0x4f: {  	_ =	shalt  }
0x50: {  	_ =	shalt  }
0x51: {  	_ =	shalt  }
0x52: {  	_ =	shalt  }
0x53: {  	_ =	shalt  }
0x54: {  	_ =	shalt  }
0x55: {  	_ =	shalt  }
0x56: {  	_ =	shalt  }
0x57: {  	_ =	shalt  }
0x58: {  	_ =	shalt  }
0x59: {  	_ =	shalt  }
0x5a: {  	_ =	shalt  }
0x5b: {  	_ =	shalt  }
0x5c: {  	_ =	shalt  }
0x5d: {  	_ =	shalt  }
0x5e: {  	_ =	shalt  }
0x5f: {  	_ =	shalt  }
0x60: {  	_ =	shalt  }
0x61: {  	_ =	shalt  }
0x62: {  	_ =	shalt  }
0x63: {  	_ =	shalt  }
0x64: {  	_ =	shalt  }
0x65: {  	_ =	shalt  }
0x66: {  	_ =	shalt  }
0x67: {  	_ =	shalt  }
0x68: {  	_ =	shalt  }
0x69: {  	_ =	shalt  }
0x6a: {  	_ =	shalt  }
0x6b: {  	_ =	shalt  }
0x6c: {  	_ =	shalt  }
0x6d: {  	_ =	shalt  }
0x6e: {  	_ =	shalt  }
0x6f: {  	_ =	shalt  }
0x70: {  	_ =	shalt  }
0x71: {  	_ =	shalt  }
0x72: {  	_ =	shalt  }
0x73: {  	_ =	shalt  }
0x74: {  	_ =	shalt  }
0x75: {  	_ =	shalt  }
0x76: {  	_ =	shalt  }
0x77: {  	_ =	shalt  }
0x78: {  	_ =	shalt  }
0x79: {  	_ =	shalt  }
0x7a: {  	_ =	shalt  }
0x7b: {  	_ =	shalt  }
0x7c: {  	_ =	shalt  }
0x7d: {  	_ =	shalt  }
0x7e: {  	_ =	shalt  }
0x7f: {  	_ =	shalt  }
0x80: {  	_ =	shalt  }
0x81: {  	_ =	shalt  }
0x82: {  	_ =	shalt  }
0x83: {  	_ =	shalt  }
0x84: {  	_ =	shalt  }
0x85: {  	_ =	shalt  }
0x86: {  	_ =	shalt  }
0x87: {  	_ =	shalt  }
.Lfunc_end0:
.L_simem_size_0:
called_computation_lowered:
.L_overlay_start_0:
0x88: {  	s2 =	sld [smem:$0x3FD9]  }
0x89: {  	s3 =	sld [smem:$0x3FFE];
	_ =	sdelay $0x1  }
0x8a: {  	s1 =	srdreg.scid  }
0x8b: {  	s0 =	sand.u32 $0x1, s1  }
0x8c: {  	s15 =	sshll.u32 s0, $0xA;
	s2 =	sadd.s32 s3, s2  }
0x8d: {  	s2 =	sadd.s32 s2, s15  }
0x8e: {  	[smem:$0x3FC6] =	sst s2  }
0x8f: {  	_ = 	snop  }
0x90: {  	s2 =	sld [smem:$0x3FD0];
	_ =	sdelay $0x2  }
0x91: {  	s4 =	simm.s32 $0xB;
	s16 =	simm.s32 $0x10  }
0x92: {  	[smem:s16], [sflag:s4] =	dma.local [hbm:s2], $0x1  }
0x93: {  	_ =	swait.eq [sflag:s4], $0x1  }
0x94: {  	[sflag:s4] =	ssyncset.done $0x0  }
0x95: {  	s17 =	sld [smem:$0x10];
	[sflag:s4] =	ssyncadd.s32 $0xFFFFFFFF  }
0x96: {  	s18 =	sld [smem:$0x11];
	(tm) =	ssettm $0x1  }
0x97: {  	s19 =	sld [smem:$0x3FFB];
	_ =	sdelay $0x3  }
0x98: {  	_ =	strace s19  }
0x99: {  	s2 =	sld [smem:$0x3FFC];
	_ =	sdelay $0x3  }
0x9a: {  	_ =	strace s2  }
0x9b: {  	s2 =	sld [smem:$0x3FFD];
	_ =	sdelay $0x3  }
0x9c: {  	_ =	strace s2  }
0x9d: {  	_ =	strace $0x8FFFFFFF  }
0x9e: {  	s20 =	sld [smem:$0x3FDB];
	_ =	sdelay $0x1  }
0x9f: {  	s5 =	simm.s32 $_scs_section_size  }
0xa0: {  	s6 =	simm.s32 $_size__tile_overlayer_lowered;
	s7 =	simm.s32 $_tile_overlayer_lowered  }
0xa1: {  	s8 =	simm.s32 $0x1BFF;
	s21 =	sshll.u32 s7, $0x1;
	s5 =	sadd.s32 s5, s20  }
0xa2: {  	s22 =	simm.s32 $0x0;
	s6 =	sshll.u32 s6, $0x1;
	s7 =	sadd.s32 s21, s5  }
0xa3: {  	[timem:s22], [sflag:s8] =	dma.local [hbm:s7], s6  }
0xa4: {  	_ =	swait.ge [sflag:s8], s6  }
0xa5: {  	s6 =	ssub.s32 $0x0, s6;
	[sflag:s8] =	ssyncset.done $0x0  }
0xa6: {  	[sflag:s8] =	ssyncadd.s32 s6;
	_ =	sdelay $0x1  }
0xa7: {  	s23 =	simm.s32 $0x1B8B  }
0xa8: {  	_ =	swait.ge [sflag:s23], $0x1  }
0xa9: {  	[sflag:s23] =	ssyncset.done $0x0  }
0xaa: {  	[sflag:s23] =	ssyncadd.s32 $0xFFFFFFFF  }
0xab: {  	s6 =	sld [smem:$0x0]  }
0xac: {  	s7 =	sand.u32 $0xFFFFFFFE, s1  }
0xad: {  	p0 =	sne.s32 s1, s7  }
0xae: {  	s7 =	sshll.u32 @p0 s7, $0xE  }
0xaf: {  	s7 =	sadd.s32 @p0 $0x11B8D, s7;
	s8 =	sshll.u32 @p0 s6, $0x11  }
0xb0: {  	s7 =	sor.u32 @p0 s8, s7  }
0xb1: {  	[sflag:s7] =	ssyncadd.remote.s32 @p0 $0x1;
	_ =	sdelay $0x1  }
0xb2: {  	s7 =	simm.s32 @p0 $0x1B8D  }
0xb3: {  	_ =	swait.eq @p0 [sflag:s7], $0x1  }
0xb4: {  	[sflag:s7] =	ssyncadd.s32 @p0 $0xFFFFFFFF  }
0xb5: {  	s8 =	sshll.u32 @!p0 s1, $0xE  }
0xb6: {  	s8 =	sor.u32 @!p0 $0x4000, s8;
	s7 =	simm.s32 @!p0 $0x1B8D  }
0xb7: {  	s6 =	sshll.u32 @!p0 s6, $0x11;
	s8 =	sadd.s32 @!p0 $0x11B8D, s8;
	_ =	swait.eq @!p0 [sflag:s7], $0x1  }
0xb8: {  	s6 =	sor.u32 @!p0 s6, s8;
	[sflag:s7] =	ssyncadd.s32 @!p0 $0xFFFFFFFF  }
0xb9: {  	s25 =	simm.s32 $0x1B8E;
	s24 =	sld [smem:$0x3FFE];
	[sflag:s6] =	ssyncadd.remote.s32 @!p0 $0x1  }
0xba: {  	s26 =	simm.s32 $execute0_lowered;
	[smem:$0x3FD2] =	sst s25  }
0xbb: {  	s7 =	sshll.u32 s26, $0x1;
	_ =	strace $0x80000049;
	[dreg:$0x1] =	wrdreg $0xFFFFFFFF  }
0xbc: {  	s28 =	simm.s32 $_size_execute0_lowered;
	s5 =	sadd.s32 s5, s7;
	[dreg:$0x0] =	wrdreg $0x0  }
0xbd: {  	s7 =	sshll.u32 s28, $0x1;
	[dreg:$0x2] =	wrdreg s5  }
0xbe: {  	[dreg:$0x3] =	wrdreg s7  }
0xbf: {  	[dreg:$0x4] =	wrdreg $0xC0  }
0xc0: {  	_ =	task [dreg:s22], $0x5FFFF  }
0xc1: {  	[dreg:$0x1] =	wrdreg $0xFFFFFFFF  }
0xc2: {  	[dreg:$0x0] =	wrdreg $0x60  }
0xc3: {  	[dreg:$0x2] =	wrdreg s24  }
0xc4: {  	[dreg:$0x3] =	wrdreg s18  }
0xc5: {  	[dreg:$0x4] =	wrdreg s17  }
0xc6: {  	[dreg:$0x5] =	wrdreg $0x9  }
0xc7: {  	_ =	task.clear_ibuf [dreg:s22], $0x6FFFF;
	_ =	strace $0x90000049  }
0xc8: {  	s29 =	simm.s32 $0x9;
	_ =	strace $0x8000004B  }
0xc9: {  	_ =	swait.ge [sflag:s29], $0x1  }
0xca: {  	[sflag:s29] =	ssyncadd.s32 $0xFFFFFFFF  }
0xcb: {  	_ =	strace $0x9000004B  }
0xcc: {  	_ =	sfence  }
0xcd: {  	s30 =	sld [smem:$0x0];
	_ =	sdelay $0x2  }
0xce: {  	s31 =	sshll.u32 s1, $0xD;
	s1 =	sshrl.u32 s1, $0x2  }
0xcf: {  	s4 =	sand.u32 $0x4000, s31;
	s1 =	sadd.s32 s1, s30  }
0xd0: {  	s0 =	sor.u32 s4, s0;
	s1 =	sshll.u32 s1, $0x11  }
0xd1: {  	s0 =	sor.u32 s1, s0  }
0xd2: {  	s0 =	sadd.s32 $0x8F2B, s0  }
0xd3: {  	[sflag:s0] =	ssyncadd.remote.s32 $0x1  }
0xd4: {  	_ =	sfence.sel $0xFFFF  }
0xd5: {  	[dreg:$0x0] =	wrdreg $0xFFFFFFFF;
	(pc) =	sbr.abs _section_cstart, $3  }
0xd6: {  	[dreg:$0x1] =	wrdreg $0xFFFFFFFF  }
0xd7: {  	_ =	task.clear_ibuf [dreg:s22], $0x2FFFF;
	_ =	strace $0x9FFFFFFF  }
0xd8: {  	(tm) =	ssettm $0x7FFFFFFF  }
0xd9: {  	_ =	shalt  }
tec
execute0_lowered:
.L_overlay_start_1:
0x0: {  	(tag) =	ssettag $0x1  }
0x1: {  	v0 =	vlaneseq.u32;
	v1 =	vimm.s32 $0x76543210  }
0x2: {  	v6 =	vimm.s32 $0x32107654;
	v7 =	vimm.s32 $0xDCFE98BA;
	v8 =	vimm.s32 $0x54761032  }
0x3: {  	vm0 =	vcmask $0x2F20;
	vm1 =	vcmask $0x1710;
	vm2 =	vcmask $0x700  }
0x4: {  	vm3 =	vcmask $0xF00;
	vm4 =	vcmask $0x2320;
	v4 =	vmul.u32 $0xFFFFFFFF, v0  }
0x5: {  	v0 =	vimm.s32 $0xFEDCBA98;
	v3 =	vunpack.c.l.s4.s8 v1;
	v1 =	vimm.s32 $0xBA98FEDC  }
0x6: {  	v6 =	vunpack.c.l.s4.s8 v6;
	v7 =	vunpack.c.l.s4.s8 v7;
	v8 =	vunpack.c.l.s4.s8 v8  }
0x7: {  	vm1 =	vmor vm2, vm1;
	vm2 =	vcmask $0x2720;
	vm0 =	vmor vm3, vm0  }
0x8: {  	vm3 =	vcmask $0x300;
	v2 =	vunpack.c.l.s4.s8 v0;
	v5 =	vunpack.c.l.s4.s8 v1  }
0x9: {  	vm1 =	vmor vm1, vm2;
	vm2 =	vcmask $0x3730;
	v0 =	vadd.s32 $0x3F, v4  }
0xa: {  	s3 =	rddreg [dreg:$0x0];
	v1 =	vadd.s32 $0x2F, v4;
	v3 =	vunpack.c.0.s8.s32 v3;
	v6 =	vunpack.c.0.s8.s32 v6  }
0xb: {  	s4 =	rddreg [dreg:$0x1];
	vm1 =	vmor vm1, vm2;
	vm2 =	vcmask $0xB08;
	v5 =	vunpack.c.0.s8.s32 v5  }
0xc: {  	s5 =	rddreg [dreg:$0x2];
	v2 =	vunpack.c.0.s8.s32 v2;
	vm2 =	vmor vm3, vm2;
	vm3 =	vcmask $0x1310  }
0xd: {  	s0 =	rddreg [dreg:$0x3];
	v5 =	vcombine.low v6, v5;
	v6 =	vunpack.c.0.s8.s32 v7;
	v7 =	vunpack.c.0.s8.s32 v8  }
0xe: {  	s6 =	srdreg.scid;
	s1 =	stileid.u32;
	s2 =	simm.s32 $0x0;
	vm2 =	vmor vm2, vm3;
	vm3 =	vcmask $0x1B18;
	v2 =	vand.u32 $0xF, v2  }
0xf: {  	s11 =	simm.s32 $0x8880;
	s12 =	simm.s32 $0x9180;
	s13 =	simm.s32 $0x0;
	v8 =	vimm.s32 $0x67452301;
	v6 =	vcombine.low v7, v6;
	v7 =	vimm.s32 $0xEFCDAB89  }
0x10: {  	s6 =	sand.u32 $0x1, s6;
	s7 =	sshll.u32 s1, $0x1;
	[smem:$0x7FF] =	sst s2;
	vm3 =	vmor vm2, vm3;
	v8 =	vunpack.c.l.s4.s8 v8;
	v7 =	vunpack.c.l.s4.s8 v7  }
0x11: {  	s7 =	sor.u32 s6, s7;
	_ =	strace $0x8000004A;
	s6 =	ssub.s32 $0x2, s6;
	vm2 =	vmmov $0xff;
	v2 =	vcombine.low v2, v3;
	v3 =	vadd.s32 $0x1F, v4  }
0x12: {  	s8 =	sshll.u32 s7, $0xC;
	s9 =	sshll.u32 s7, $0x4;
	s31 =	sshrl.u32 s6, $0x1;
	v4 =	vadd.s32 $0xF, v4;
	v8 =	vunpack.c.0.s8.s32 v8;
	v7 =	vunpack.c.0.s8.s32 v7  }
0x13: {  	s7 =	sshll.u32 s7, $0x8;
	s8 =	sadd.s32 s8, s3;
	s9 =	sadd.s32 s9, s3;
	vm3 =	vmor vm3, vm4;
	vm4 =	vcmask $0x2B28;
	v5 =	vand.u32 $0xF, v5  }
0x14: {  	s10 =	ssub.s32 s6, s31;
	s4 =	sadd.s32 s4, s7;
	s5 =	sadd.s32 s5, s7;
	vm3 =	vmor vm3, vm4;
	vm4 =	vcmask $0x3330;
	v7 =	vcombine.low v8, v7  }
0x15: {  	s3 =	sadd.s32 $0x25C00, s8;
	s6 =	sadd.s32 $0x45C00, s9;
	s7 =	smax.u32 s10, $0x1;
	vm3 =	vmor vm3, vm4;
	vm4 =	vcmask $0x3B38;
	v6 =	vand.u32 $0xF, v6  }
0x16: {  	s8 =	simm.s32 $0x1;
	s9 =	simm.s32 $0x9100;
	s10 =	simm.s32 $0x8000;
	vm3 =	vmor vm3, vm4;
	v8 =	vimm.f32 $1.000000000e+00;
	v7 =	vand.u32 $0xF, v7  }
.LBB2_1:
0x17: {  	[tilespmem:s2], [sflag:$0x1] =	stream.linear.gather [hbm4b:s3+s2], $0x8000, $0x38;
	[tilespmem:$0x9200] =	vst v63  }
0x18: {  	_ =	swait.ge [sflag:s8], $0x8000  }
0x19: {  	[sflag:s8] =	ssyncset.done $0x0  }
0x1a: {  	v9 =	vimm.f32 $0.0e+00;
	[sflag:s8] =	ssyncadd.s32 $0xFFFF8000  }
0x1b: {  	[tilespmem:$0x9100] =	vst v9  }
0x1c: {  	[tilespmem:$0x9110] =	vst v9  }
0x1d: {  	[tilespmem:$0x9120] =	vst v9  }
0x1e: {  	s14 =	simm.s32 $0x20;
	[tilespmem:$0x9130] =	vst v9  }
0x1f: {  	v10 =	vld [tilespmem:s14+$0x10]  }
0x20: {  	v11 =	vld [tilespmem:s14+$0x0]  }
0x21: {  	v12 =	vld [tilespmem:s14+$0xFFFFFFE0]  }
0x22: {  	v13 =	vld [tilespmem:s14+$0xFFFFFFF0];
	_ =	sdelay $0x2  }
0x23: {  	vm4 =	vlt.s32 v10, $0x0;
	v14 =	vxor.u32 $0x7FFFFFC0, v10  }
0x24: {  	vm5 =	vlt.s32 v11, $0x0;
	v15 =	vxor.u32 $0x7FFFFFC0, v11;
	v16 =	vxor.u32 $0x7FFFFFC0, v12  }
0x25: {  	v17 =	vxor.u32 $0x7FFFFFC0, v13;
	v14 =	vsel vm4, v14, v10;
	vm4 =	vlt.s32 v12, $0x0  }
0x26: {  	v15 =	vsel vm5, v15, v11;
	vm5 =	vlt.s32 v13, $0x0;
	v14 =	vand.u32 $0xFFFFFFC0, v14  }
0x27: {  	v17 =	vsel vm5, v17, v13;
	v15 =	vand.u32 $0xFFFFFFC0, v15;
	v14 =	vor.u32 v4, v14  }
0x28: {  	v17 =	vand.u32 $0xFFFFFFC0, v17;
	v15 =	vor.u32 v3, v15;
	v18 =	vxor.u32 $0x80000000, v14  }
0x29: {  	v16 =	vsel vm4, v16, v12;
	v17 =	vor.u32 v1, v17;
	v19 =	vxor.u32 $0x80000000, v15;
	(xrf1) =	vsort.dscd.msk.u32 $0xffff, v18, v14  }
0x2a: {  	v14 =	vand.u32 $0xFFFFFFC0, v16;
	v16 =	vxor.u32 $0x80000000, v17;
	(xrf1) =	vsort.dscd.msk.u32 $0xffff, v19, v15  }
0x2b: {  	v14 =	vor.u32 v0, v14;
	(xrf1) =	vsort.dscd.msk.u32 $0xffff, v16, v17  }
0x2c: {  	v15 =	vxor.u32 $0x80000000, v14  }
0x2d: {  	(xrf1) =	vsort.dscd.msk.u32 $0xffff, v15, v14;
	_ =	sdelay $0x9  }
0x2e: {  	v14, _, _ =	vpop (xrf1)  }
0x2f: {  	v14 =	vxor.u32 $0x80000000, v14;
	v15, _, _ =	vpop (xrf1)  }
0x30: {  	v14 =	vperm.xlane v14, v4;
	v16, _, _ =	vpop (xrf1)  }
0x31: {  	v15 =	vxor.u32 $0x80000000, v15;
	v16 =	vxor.u32 $0x80000000, v16  }
0x32: {  	v17, _, _ =	vpop (xrf1);
	v16 =	vperm.xlane v16, v4;
	vm4 =	vgt.s32 v15, v14  }
0x33: {  	v17 =	vxor.u32 $0x80000000, v17;
	v14 =	vsel vm4, v15, v14  }
0x34: {  	vm4 =	vgt.s32 v17, v16;
	v15 =	vperm.xlane v14, v2  }
0x35: {  	v16 =	vsel vm4, v17, v16  }
0x36: {  	v17 =	vperm.xlane v16, v2;
	vm4 =	vgt.s32 v14, v15  }
0x37: {  	v18 =	vsel vm4, v14, v15;
	v14 =	vsel vm4, v15, v14  }
0x38: {  	vm4 =	vgt.s32 v16, v17;
	v14 =	vsel vm2, v18, v14  }
0x39: {  	v15 =	vsel vm4, v16, v17;
	v16 =	vsel vm4, v17, v16;
	v17 =	vperm.xlane v14, v5  }
0x3a: {  	v15 =	vsel vm2, v15, v16  }
0x3b: {  	v16 =	vperm.xlane v15, v5;
	vm4 =	vgt.s32 v14, v17  }
0x3c: {  	v18 =	vsel vm4, v14, v17;
	v14 =	vsel vm4, v17, v14  }
0x3d: {  	vm4 =	vgt.s32 v15, v16;
	v14 =	vsel vm0, v18, v14  }
0x3e: {  	v17 =	vsel vm4, v15, v16;
	v15 =	vsel vm4, v16, v15;
	v16 =	vperm.xlane v14, v6  }
0x3f: {  	v15 =	vsel vm0, v17, v15  }
0x40: {  	v17 =	vperm.xlane v15, v6;
	vm4 =	vgt.s32 v14, v16  }
0x41: {  	v18 =	vsel vm4, v14, v16;
	v14 =	vsel vm4, v16, v14  }
0x42: {  	vm4 =	vgt.s32 v15, v17;
	v14 =	vsel vm1, v18, v14  }
0x43: {  	v16 =	vsel vm4, v15, v17;
	v15 =	vsel vm4, v17, v15;
	v17 =	vperm.xlane v14, v7  }
0x44: {  	v15 =	vsel vm1, v16, v15  }
0x45: {  	v16 =	vperm.xlane v15, v7;
	vm4 =	vgt.s32 v14, v17  }
0x46: {  	v18 =	vsel vm4, v14, v17;
	v14 =	vsel vm4, v17, v14  }
0x47: {  	vm4 =	vgt.s32 v15, v16;
	v14 =	vsel vm3, v18, v14  }
0x48: {  	v17 =	vsel vm4, v15, v16;
	v15 =	vsel vm4, v16, v15;
	v14 =	vperm.xlane v14, v4  }
0x49: {  	v15 =	vsel vm3, v17, v15  }
0x4a: {  	vm4 =	vgt.s32 v15, v14  }
0x4b: {  	v14 =	vsel vm4, v15, v14  }
0x4c: {  	v15 =	vperm.xlane v14, v2;
	_ =	sdelay $0x1  }
0x4d: {  	vm4 =	vgt.s32 v14, v15  }
0x4e: {  	v16 =	vsel vm4, v14, v15;
	v14 =	vsel vm4, v15, v14  }
0x4f: {  	v14 =	vsel vm2, v16, v14  }
0x50: {  	v15 =	vperm.xlane v14, v5;
	_ =	sdelay $0x1  }
0x51: {  	vm4 =	vgt.s32 v14, v15  }
0x52: {  	v16 =	vsel vm4, v14, v15;
	v14 =	vsel vm4, v15, v14  }
0x53: {  	v14 =	vsel vm0, v16, v14  }
0x54: {  	v15 =	vperm.xlane v14, v6;
	_ =	sdelay $0x1  }
0x55: {  	vm4 =	vgt.s32 v14, v15  }
0x56: {  	v16 =	vsel vm4, v14, v15;
	v14 =	vsel vm4, v15, v14  }
0x57: {  	v14 =	vsel vm1, v16, v14  }
0x58: {  	v15 =	vperm.xlane v14, v7;
	_ =	sdelay $0x1  }
0x59: {  	vm4 =	vgt.s32 v14, v15  }
0x5a: {  	v16 =	vsel vm4, v14, v15;
	v14 =	vsel vm4, v15, v14  }
0x5b: {  	v14 =	vsel vm3, v16, v14  }
0x5c: {  	v15 =	vand.u32 $0xFFFFFFC0, v14  }
0x5d: {  	vm4 =	vlt.s32 v14, $0x0;
	v16 =	vxor.u32 $0x7FFFFFFF, v15  }
0x5e: {  	v15 =	vsel vm4, v16, v15  }
0x5f: {  	(xrf0) =	vmax.scan.msk.f32 $0xffff, v15;
	_ =	sdelay $0x5  }
0x60: {  	v16, _, _ =	vpop (xrf0)  }
0x61: {  	v16 =	vbroadcast v16, $0xF;
	_ =	sdelay $0x1  }
0x62: {  	v15 =	vsub.f32 v15, v16;
	_ =	sdelay $0x1  }
0x63: {  	v15 =	vmul.f32 $1.442695020e+00, v15;
	_ =	sdelay $0x1  }
0x64: {  	(erf) = vpow2.f32 v15;
	_ =	sdelay $0x6  }
0x65: {  	v13 =	vsub.f32 v13, v16;
	_ =	sdelay $0x1  }
0x66: {  	v13 =	vmul.f32 $1.442695020e+00, v13;
	v15 =	vpop (erf)  }
0x67: {  	v19 =	vnsel vm2, $0x0, v15  }
0x68: {  	v12 =	vsub.f32 v12, v16;
	(erf) = vpow2.f32 v13;
	(xrf2) =	vadd.scan.msk.f32 $0xffff, v19;
	_ =	sdelay $0x1  }
0x69: {  	v12 =	vmul.f32 $1.442695020e+00, v12  }
0x6a: {  	v11 =	vsub.f32 v11, v16  }
0x6b: {  	v10 =	vsub.f32 v10, v16;
	(erf) = vpow2.f32 v12  }
0x6c: {  	v11 =	vmul.f32 $1.442695020e+00, v11  }
0x6d: {  	v10 =	vmul.f32 $1.442695020e+00, v10  }
0x6e: {  	(erf) = vpow2.f32 v11;
	_ =	sdelay $0x1  }
0x6f: {  	v15 =	vpop (erf)  }
0x70: {  	(erf) = vpow2.f32 v10;
	v10, _, _ =	vpop (xrf2);
	(xrf2) =	vadd.scan.msk.f32 $0xffff, v15;
	_ =	sdelay $0x2  }
0x71: {  	v18 =	vpop (erf)  }
0x72: {  	v10 =	vbroadcast v10, $0xF;
	(xrf2) =	vadd.scan.msk.f32 $0xffff, v18;
	_ =	sdelay $0x1  }
0x73: {  	v16 =	vpop (erf);
	(erf) = vrcp.f32 v10  }
0x74: {  	(xrf2) =	vadd.scan.msk.f32 $0xffff, v16;
	_ =	sdelay $0x1  }
0x75: {  	v17 =	vpop (erf)  }
0x76: {  	(xrf2) =	vadd.scan.msk.f32 $0xffff, v17;
	v12, _, _ =	vpop (xrf2)  }
0x77: {  	(v2sf) =	vpush v12, $0xF;
	_ =	sdelay $0x2  }
0x78: {  	v12, _, _ =	vpop (xrf2)  }
0x79: {  	v11 =	vpop (erf);
	(v2sf) =	vpush v12, $0xF  }
0x7a: {  	v11 =	vmul.f32 v11, v19  }
0x7b: {  	v10 =	vandn.u32 $0x3F, v14;
	v12, _, _ =	vpop (xrf2)  }
0x7c: {  	(v2sf) =	vpush v12, $0xF  }
0x7d: {  	s31 =	simm.s32 $0x0  }
0x7e: {  	[tilespmem:s31+$0x8000] =	vst.msk $0xff, v11;
	v11, _, _ =	vpop (xrf2)  }
0x7f: {  	[tilespmem:s31+$0x8880] =	vst.msk $0xff, v10;
	(v2sf) =	vpush v11, $0xF  }
0x80: {  	s15 =	simm.s32 $0xA0;
	[tilespmem:v10+s9+$0x0] =	vst.idx.add.f32.msk $0xff, v8  }
0x81: {  	v13 =	vld [tilespmem:s15+$0xFFFFFFE0]  }
0x82: {  	s16 =	simm.s32 $0x40;
	s14 =	simm.s32 $0x20;
	v12 =	vimm.f32 $0.0e+00;
	v10 =	vimm.f32 $0.0e+00;
	v14 =	vld [tilespmem:s15+$0xFFFFFFF0];
	v11 =	vimm.f32 $0.0e+00  }
.LBB2_2:
0x83: {  	p0 =	sne.s32 s16, $0x1FE0  }
0x84: {  	v19 =	vld [tilespmem:s15+$0x10];
	s18 =	spop (v2sf);
	s17 =	smov.u32 s16;
	s16 =	sadd.s32 $0x20, s16  }
0x85: {  	v20 =	vld [tilespmem:s15+$0x0];
	_ =	sdelay $0x1  }
0x86: {  	vm4 =	vlt.s32 v13, $0x0;
	v21 =	vxor.u32 $0x7FFFFFC0, v13  }
0x87: {  	v21 =	vsel vm4, v21, v13;
	vm4 =	vlt.s32 v14, $0x0;
	v22 =	vxor.u32 $0x7FFFFFC0, v14;
	s19 =	spop (v2sf)  }
0x88: {  	v22 =	vsel vm4, v22, v14;
	vm4 =	vlt.s32 v19, $0x0;
	v23 =	vxor.u32 $0x7FFFFFC0, v19;
	s18 =	sadd.f32 s18, s19  }
0x89: {  	vm5 =	vlt.s32 v20, $0x0;
	v24 =	vxor.u32 $0x7FFFFFC0, v20;
	v23 =	vsel vm4, v23, v19  }
0x8a: {  	v21 =	vand.u32 $0xFFFFFFC0, v21;
	v24 =	vsel vm5, v24, v20;
	v23 =	vand.u32 $0xFFFFFFC0, v23;
	s19 =	spop (v2sf)  }
0x8b: {  	v21 =	vor.u32 v0, v21;
	v24 =	vand.u32 $0xFFFFFFC0, v24;
	v23 =	vor.u32 v4, v23;
	s18 =	sadd.f32 s18, s19  }
0x8c: {  	v22 =	vand.u32 $0xFFFFFFC0, v22;
	v24 =	vor.u32 v3, v24;
	v25 =	vxor.u32 $0x80000000, v23  }
0x8d: {  	v22 =	vor.u32 v1, v22;
	v26 =	vxor.u32 $0x80000000, v24;
	(xrf1) =	vsort.dscd.msk.u32 $0xffff, v25, v23;
	s19 =	spop (v2sf)  }
0x8e: {  	v23 =	vxor.u32 $0x80000000, v21;
	v25 =	vxor.u32 $0x80000000, v22;
	(xrf1) =	vsort.dscd.msk.u32 $0xffff, v26, v24;
	s18 =	sadd.f32 s18, s19  }
0x8f: {  	(xrf1) =	vsort.dscd.msk.u32 $0xffff, v25, v22  }
0x90: {  	(xrf1) =	vsort.dscd.msk.u32 $0xffff, v23, v21;
	v21 =	vmov s18  }
0x91: {  	(erf) = vrcp.f32 v21;
	_ =	sdelay $0x8  }
0x92: {  	v21 =	vpop (erf)  }
0x93: {  	v22, _, _ =	vpop (xrf1);
	v18 =	vmul.f32 v21, v18;
	v15 =	vmul.f32 v21, v15  }
0x94: {  	v16 =	vmul.f32 v21, v16;
	v17 =	vmul.f32 v21, v17;
	v24 =	vxor.u32 $0x80000000, v22;
	v23, _, _ =	vpop (xrf1)  }
0x95: {  	v21 =	vperm.xlane v24, v4;
	v22, _, _ =	vpop (xrf1);
	v9 =	vadd.f32 v18, v9;
	v12 =	vadd.f32 v15, v12  }
0x96: {  	v18 =	vxor.u32 $0x80000000, v23;
	v11 =	vadd.f32 v16, v11;
	v15 =	vxor.u32 $0x80000000, v22;
	v22, _, _ =	vpop (xrf1)  }
0x97: {  	v10 =	vadd.f32 v17, v10;
	v15 =	vperm.xlane v15, v4;
	vm4 =	vgt.s32 v18, v21  }
0x98: {  	v16 =	vxor.u32 $0x80000000, v22;
	v17 =	vsel vm4, v18, v21  }
0x99: {  	vm4 =	vgt.s32 v16, v15;
	v18 =	vperm.xlane v17, v2  }
0x9a: {  	v15 =	vsel vm4, v16, v15  }
0x9b: {  	v16 =	vperm.xlane v15, v2;
	vm4 =	vgt.s32 v17, v18  }
0x9c: {  	v21 =	vsel vm4, v17, v18;
	v17 =	vsel vm4, v18, v17  }
0x9d: {  	vm4 =	vgt.s32 v15, v16;
	v17 =	vsel vm2, v21, v17  }
0x9e: {  	v18 =	vsel vm4, v15, v16;
	v15 =	vsel vm4, v16, v15;
	v16 =	vperm.xlane v17, v5  }
0x9f: {  	v15 =	vsel vm2, v18, v15  }
0xa0: {  	v18 =	vperm.xlane v15, v5;
	vm4 =	vgt.s32 v17, v16  }
0xa1: {  	v21 =	vsel vm4, v17, v16;
	v16 =	vsel vm4, v16, v17  }
0xa2: {  	vm4 =	vgt.s32 v15, v18;
	v16 =	vsel vm0, v21, v16  }
0xa3: {  	v17 =	vsel vm4, v15, v18;
	v15 =	vsel vm4, v18, v15;
	v18 =	vperm.xlane v16, v6  }
0xa4: {  	v15 =	vsel vm0, v17, v15  }
0xa5: {  	v17 =	vperm.xlane v15, v6;
	vm4 =	vgt.s32 v16, v18  }
0xa6: {  	v21 =	vsel vm4, v16, v18;
	v16 =	vsel vm4, v18, v16  }
0xa7: {  	vm4 =	vgt.s32 v15, v17;
	v16 =	vsel vm1, v21, v16  }
0xa8: {  	v18 =	vsel vm4, v15, v17;
	v15 =	vsel vm4, v17, v15;
	v17 =	vperm.xlane v16, v7  }
0xa9: {  	v15 =	vsel vm1, v18, v15  }
0xaa: {  	v18 =	vperm.xlane v15, v7;
	vm4 =	vgt.s32 v16, v17  }
0xab: {  	v21 =	vsel vm4, v16, v17;
	v16 =	vsel vm4, v17, v16  }
0xac: {  	vm4 =	vgt.s32 v15, v18;
	v16 =	vsel vm3, v21, v16  }
0xad: {  	v17 =	vsel vm4, v15, v18;
	v15 =	vsel vm4, v18, v15;
	v16 =	vperm.xlane v16, v4  }
0xae: {  	v15 =	vsel vm3, v17, v15  }
0xaf: {  	vm4 =	vgt.s32 v15, v16  }
0xb0: {  	v15 =	vsel vm4, v15, v16  }
0xb1: {  	v16 =	vperm.xlane v15, v2;
	_ =	sdelay $0x1  }
0xb2: {  	vm4 =	vgt.s32 v15, v16  }
0xb3: {  	v17 =	vsel vm4, v15, v16;
	v15 =	vsel vm4, v16, v15  }
0xb4: {  	v15 =	vsel vm2, v17, v15  }
0xb5: {  	v16 =	vperm.xlane v15, v5;
	_ =	sdelay $0x1  }
0xb6: {  	vm4 =	vgt.s32 v15, v16  }
0xb7: {  	v17 =	vsel vm4, v15, v16;
	v15 =	vsel vm4, v16, v15  }
0xb8: {  	v15 =	vsel vm0, v17, v15  }
0xb9: {  	v16 =	vperm.xlane v15, v6;
	_ =	sdelay $0x1  }
0xba: {  	vm4 =	vgt.s32 v15, v16  }
0xbb: {  	v17 =	vsel vm4, v15, v16;
	v15 =	vsel vm4, v16, v15  }
0xbc: {  	v15 =	vsel vm1, v17, v15  }
0xbd: {  	v16 =	vperm.xlane v15, v7;
	_ =	sdelay $0x1  }
0xbe: {  	vm4 =	vgt.s32 v15, v16  }
0xbf: {  	v17 =	vsel vm4, v15, v16;
	v15 =	vsel vm4, v16, v15  }
0xc0: {  	v21 =	vsel vm3, v17, v15  }
0xc1: {  	v15 =	vand.u32 $0xFFFFFFC0, v21  }
0xc2: {  	vm4 =	vlt.s32 v21, $0x0;
	v16 =	vxor.u32 $0x7FFFFFFF, v15  }
0xc3: {  	v15 =	vsel vm4, v16, v15  }
0xc4: {  	(xrf0) =	vmax.scan.msk.f32 $0xffff, v15;
	_ =	sdelay $0x5  }
0xc5: {  	v16, _, _ =	vpop (xrf0)  }
0xc6: {  	v16 =	vbroadcast v16, $0xF;
	_ =	sdelay $0x1  }
0xc7: {  	v15 =	vsub.f32 v15, v16;
	v13 =	vsub.f32 v13, v16  }
0xc8: {  	v14 =	vsub.f32 v14, v16;
	v17 =	vsub.f32 v20, v16  }
0xc9: {  	v16 =	vsub.f32 v19, v16;
	v15 =	vmul.f32 $1.442695020e+00, v15;
	v13 =	vmul.f32 $1.442695020e+00, v13  }
0xca: {  	v14 =	vmul.f32 $1.442695020e+00, v14;
	v17 =	vmul.f32 $1.442695020e+00, v17  }
0xcb: {  	v16 =	vmul.f32 $1.442695020e+00, v16;
	(erf) = vpow2.f32 v15  }
0xcc: {  	(erf) = vpow2.f32 v14;
	_ =	sdelay $0x6  }
0xcd: {  	(erf) = vpow2.f32 v13  }
0xce: {  	v13 =	vpop (erf)  }
0xcf: {  	v13 =	vnsel vm2, $0x0, v13;
	v15 =	vpop (erf);
	(erf) = vpow2.f32 v17  }
0xd0: {  	(xrf2) =	vadd.scan.msk.f32 $0xffff, v13;
	_ =	sdelay $0x1  }
0xd1: {  	(erf) = vpow2.f32 v16  }
0xd2: {  	(xrf2) =	vadd.scan.msk.f32 $0xffff, v15;
	_ =	sdelay $0x2  }
0xd3: {  	v18 =	vpop (erf)  }
0xd4: {  	(xrf2) =	vadd.scan.msk.f32 $0xffff, v18  }
0xd5: {  	v16 =	vpop (erf);
	_ =	sdelay $0x1  }
0xd6: {  	v14, _, _ =	vpop (xrf2);
	(xrf2) =	vadd.scan.msk.f32 $0xffff, v16  }
0xd7: {  	v19 =	vbroadcast v14, $0xF;
	v17 =	vpop (erf)  }
0xd8: {  	s15 =	sadd.s32 $0x80, s15  }
0xd9: {  	(erf) = vrcp.f32 v19;
	v14, _, _ =	vpop (xrf2);
	(xrf2) =	vadd.scan.msk.f32 $0xffff, v17  }
0xda: {  	(v2sf) =	vpush v14, $0xF;
	_ =	sdelay $0x2  }
0xdb: {  	v14, _, _ =	vpop (xrf2)  }
0xdc: {  	(v2sf) =	vpush v14, $0xF;
	_ =	sdelay $0x1  }
0xdd: {  	v14, _, _ =	vpop (xrf2)  }
0xde: {  	s18 =	sshra.s32 s14, $0x2;
	s14 =	smov.u32 s17;
	v19 =	vandn.u32 $0x3F, v21;
	(v2sf) =	vpush v14, $0xF  }
0xdf: {  	[tilespmem:s18+$0x8880] =	vst.msk $0xff, v19;
	v14 =	vpop (erf)  }
0xe0: {  	v13 =	vmul.f32 v14, v13;
	v14, _, _ =	vpop (xrf2)  }
.Ltmp0:
0xe1: {  	(v2sf) =	vpush v14, $0xF;
	(pc) =	sbr.rel @p0 .LBB2_2-.Ltmp0, $4  }
0xe2: {  	[tilespmem:s18+$0x8000] =	vst.msk $0xff, v13  }
0xe3: {  	[tilespmem:v19+s9+$0x0] =	vst.idx.add.f32.msk $0xff, v8  }
0xe4: {  	v13 =	vld [tilespmem:s15+$0xFFFFFFE0]  }
0xe5: {  	v14 =	vld [tilespmem:s15+$0xFFFFFFF0]  }
0xe6: {  	v19 =	vld [tilespmem:s15+$0x10]  }
0xe7: {  	v20 =	vld [tilespmem:s15+$0x0];
	_ =	sdelay $0x3  }
0xe8: {  	v23 =	vxor.u32 $0x7FFFFFC0, v13;
	v24 =	vxor.u32 $0x7FFFFFC0, v14  }
0xe9: {  	vm4 =	vlt.s32 v19, $0x0;
	v21 =	vxor.u32 $0x7FFFFFC0, v19;
	vm5 =	vlt.s32 v20, $0x0  }
0xea: {  	v22 =	vxor.u32 $0x7FFFFFC0, v20;
	v21 =	vsel vm4, v21, v19;
	vm4 =	vlt.s32 v13, $0x0  }
0xeb: {  	v22 =	vsel vm5, v22, v20;
	vm5 =	vlt.s32 v14, $0x0;
	v21 =	vand.u32 $0xFFFFFFC0, v21  }
0xec: {  	v24 =	vsel vm5, v24, v14;
	v22 =	vand.u32 $0xFFFFFFC0, v22;
	v21 =	vor.u32 v4, v21  }
0xed: {  	v24 =	vand.u32 $0xFFFFFFC0, v24;
	v22 =	vor.u32 v3, v22;
	v25 =	vxor.u32 $0x80000000, v21  }
0xee: {  	v23 =	vsel vm4, v23, v13;
	v24 =	vor.u32 v1, v24;
	v26 =	vxor.u32 $0x80000000, v22;
	(xrf1) =	vsort.dscd.msk.u32 $0xffff, v25, v21  }
0xef: {  	v52 =	vand.u32 $0xFFFFFFC0, v23;
	v53 =	vxor.u32 $0x80000000, v24;
	(xrf1) =	vsort.dscd.msk.u32 $0xffff, v26, v22  }
0xf0: {  	v21 =	vor.u32 v0, v52;
	(xrf1) =	vsort.dscd.msk.u32 $0xffff, v53, v24  }
0xf1: {  	v54 =	vxor.u32 $0x80000000, v21  }
0xf2: {  	(xrf1) =	vsort.dscd.msk.u32 $0xffff, v54, v21;
	_ =	sdelay $0x9  }
0xf3: {  	v55, _, _ =	vpop (xrf1)  }
0xf4: {  	v21 =	vxor.u32 $0x80000000, v55;
	v56, _, _ =	vpop (xrf1)  }
0xf5: {  	v21 =	vperm.xlane v21, v4;
	v23, _, _ =	vpop (xrf1)  }
0xf6: {  	v22 =	vxor.u32 $0x80000000, v56;
	v23 =	vxor.u32 $0x80000000, v23  }
0xf7: {  	v57, _, _ =	vpop (xrf1);
	v23 =	vperm.xlane v23, v4;
	vm4 =	vgt.s32 v22, v21  }
0xf8: {  	v24 =	vxor.u32 $0x80000000, v57;
	v21 =	vsel vm4, v22, v21  }
0xf9: {  	vm4 =	vgt.s32 v24, v23;
	v22 =	vperm.xlane v21, v2  }
0xfa: {  	v23 =	vsel vm4, v24, v23  }
0xfb: {  	v24 =	vperm.xlane v23, v2;
	vm4 =	vgt.s32 v21, v22  }
0xfc: {  	v58 =	vsel vm4, v21, v22;
	v21 =	vsel vm4, v22, v21  }
0xfd: {  	vm4 =	vgt.s32 v23, v24;
	v21 =	vsel vm2, v58, v21  }
0xfe: {  	v59 =	vsel vm4, v23, v24;
	v23 =	vsel vm4, v24, v23;
	v60 =	vperm.xlane v21, v5  }
0xff: {  	v22 =	vsel vm2, v59, v23  }
0x100: {  	v23 =	vperm.xlane v22, v5;
	vm4 =	vgt.s32 v21, v60  }
0x101: {  	v25 =	vsel vm4, v21, v60;
	v21 =	vsel vm4, v60, v21  }
0x102: {  	vm4 =	vgt.s32 v22, v23;
	v21 =	vsel vm0, v25, v21  }
0x103: {  	v61 =	vsel vm4, v22, v23;
	v22 =	vsel vm4, v23, v22;
	v62 =	vperm.xlane v21, v6  }
0x104: {  	v22 =	vsel vm0, v61, v22  }
0x105: {  	v24 =	vperm.xlane v22, v6;
	vm4 =	vgt.s32 v21, v62  }
0x106: {  	v25 =	vsel vm4, v21, v62;
	v21 =	vsel vm4, v62, v21  }
0x107: {  	vm4 =	vgt.s32 v22, v24;
	v21 =	vsel vm1, v25, v21  }
0x108: {  	v63 =	vsel vm4, v22, v24;
	v22 =	vsel vm4, v24, v22;
	v28 =	vperm.xlane v21, v7  }
0x109: {  	v22 =	vsel vm1, v63, v22  }
0x10a: {  	v23 =	vperm.xlane v22, v7;
	vm4 =	vgt.s32 v21, v28  }
0x10b: {  	v25 =	vsel vm4, v21, v28;
	v21 =	vsel vm4, v28, v21  }
0x10c: {  	vm4 =	vgt.s32 v22, v23;
	v21 =	vsel vm3, v25, v21  }
0x10d: {  	v29 =	vsel vm4, v22, v23;
	v22 =	vsel vm4, v23, v22;
	v21 =	vperm.xlane v21, v4  }
0x10e: {  	v22 =	vsel vm3, v29, v22  }
0x10f: {  	vm4 =	vgt.s32 v22, v21  }
0x110: {  	v21 =	vsel vm4, v22, v21  }
0x111: {  	v22 =	vperm.xlane v21, v2;
	_ =	sdelay $0x1  }
0x112: {  	vm4 =	vgt.s32 v21, v22  }
0x113: {  	v30 =	vsel vm4, v21, v22;
	v21 =	vsel vm4, v22, v21  }
0x114: {  	v21 =	vsel vm2, v30, v21  }
0x115: {  	v31 =	vperm.xlane v21, v5;
	_ =	sdelay $0x1  }
0x116: {  	vm4 =	vgt.s32 v21, v31  }
0x117: {  	v23 =	vsel vm4, v21, v31;
	v21 =	vsel vm4, v31, v21  }
0x118: {  	v21 =	vsel vm0, v23, v21  }
0x119: {  	v32 =	vperm.xlane v21, v6;
	_ =	sdelay $0x1  }
0x11a: {  	vm4 =	vgt.s32 v21, v32  }
0x11b: {  	v23 =	vsel vm4, v21, v32;
	v21 =	vsel vm4, v32, v21  }
0x11c: {  	v21 =	vsel vm1, v23, v21  }
0x11d: {  	v33 =	vperm.xlane v21, v7;
	_ =	sdelay $0x1  }
0x11e: {  	vm4 =	vgt.s32 v21, v33  }
0x11f: {  	v23 =	vsel vm4, v21, v33;
	v21 =	vsel vm4, v33, v21  }
0x120: {  	v21 =	vsel vm3, v23, v21  }
0x121: {  	v34 =	vand.u32 $0xFFFFFFC0, v21  }
0x122: {  	vm4 =	vlt.s32 v21, $0x0;
	v35 =	vxor.u32 $0x7FFFFFFF, v34  }
0x123: {  	v22 =	vsel vm4, v35, v34  }
0x124: {  	(xrf0) =	vmax.scan.msk.f32 $0xffff, v22;
	_ =	sdelay $0x2  }
0x125: {  	s24 =	spop (v2sf)  }
0x126: {  	s16 =	spop (v2sf)  }
0x127: {  	s15 =	sadd.f32 s24, s16  }
0x128: {  	s25 =	spop (v2sf);
	v36, _, _ =	vpop (xrf0)  }
0x129: {  	s15 =	sadd.f32 s15, s25;
	v23 =	vbroadcast v36, $0xF  }
0x12a: {  	s26 =	spop (v2sf)  }
0x12b: {  	s15 =	sadd.f32 s15, s26;
	v22 =	vsub.f32 v22, v23;
	_ =	sdelay $0x1  }
0x12c: {  	v37 =	vmov s15;
	v38 =	vsub.f32 v14, v23;
	v22 =	vmul.f32 $1.442695020e+00, v22  }
0x12d: {  	(erf) = vrcp.f32 v37;
	v39 =	vsub.f32 v13, v23  }
0x12e: {  	v14 =	vmul.f32 $1.442695020e+00, v38;
	(erf) = vpow2.f32 v22  }
0x12f: {  	v20 =	vsub.f32 v20, v23;
	v13 =	vmul.f32 $1.442695020e+00, v39  }
0x130: {  	(erf) = vpow2.f32 v14  }
0x131: {  	v40 =	vsub.f32 v19, v23;
	v41 =	vmul.f32 $1.442695020e+00, v20;
	(erf) = vpow2.f32 v13;
	_ =	sdelay $0x1  }
0x132: {  	v42 =	vmul.f32 $1.442695020e+00, v40;
	(erf) = vpow2.f32 v41;
	_ =	sdelay $0x1  }
0x133: {  	(erf) = vpow2.f32 v42  }
0x134: {  	v43 =	vpop (erf)  }
0x135: {  	v44 =	vpop (erf)  }
0x136: {  	v14 =	vnsel vm2, $0x0, v44  }
0x137: {  	v45 =	vpop (erf);
	(xrf2) =	vadd.scan.msk.f32 $0xffff, v14  }
0x138: {  	v46 =	vpop (erf);
	(xrf2) =	vadd.scan.msk.f32 $0xffff, v45  }
0x139: {  	(xrf2) =	vadd.scan.msk.f32 $0xffff, v46  }
0x13a: {  	v47 =	vpop (erf)  }
0x13b: {  	(xrf2) =	vadd.scan.msk.f32 $0xffff, v47  }
0x13c: {  	v48 =	vpop (erf)  }
0x13d: {  	(xrf2) =	vadd.scan.msk.f32 $0xffff, v48;
	_ =	sdelay $0x3  }
0x13e: {  	v49, _, _ =	vpop (xrf2)  }
0x13f: {  	v50, _, _ =	vpop (xrf2)  }
0x140: {  	(v2sf) =	vpush v50, $0xF;
	v51, _, _ =	vpop (xrf2)  }
0x141: {  	(v2sf) =	vpush v51, $0xF  }
0x142: {  	v52, _, _ =	vpop (xrf2)  }
0x143: {  	(v2sf) =	vpush v52, $0xF  }
0x144: {  	v53, _, _ =	vpop (xrf2)  }
0x145: {  	(v2sf) =	vpush v53, $0xF;
	_ =	sdelay $0x9  }
0x146: {  	s28 =	spop (v2sf)  }
0x147: {  	s29 =	spop (v2sf)  }
0x148: {  	v24 =	vbroadcast v49, $0xF;
	s15 =	sadd.f32 s28, s29  }
0x149: {  	s30 =	spop (v2sf)  }
0x14a: {  	(erf) = vrcp.f32 v24;
	s15 =	sadd.f32 s15, s30  }
0x14b: {  	s31 =	spop (v2sf)  }
0x14c: {  	s15 =	sadd.f32 s15, s31;
	_ =	sdelay $0x1  }
0x14d: {  	v54 =	vmov s15  }
0x14e: {  	(erf) = vrcp.f32 v54;
	_ =	sdelay $0x2  }
0x14f: {  	v21 =	vandn.u32 $0x3F, v21  }
0x150: {  	v55 =	vpop (erf)  }
0x151: {  	s14 =	sshra.s32 s14, $0x2;
	v14 =	vmul.f32 v55, v14  }
0x152: {  	[tilespmem:s14+$0x8880] =	vst.msk $0xff, v21  }
0x153: {  	[tilespmem:s14+$0x8000] =	vst.msk $0xff, v14  }
0x154: {  	[tilespmem:v21+s9+$0x0] =	vst.idx.add.f32.msk $0xff, v8  }
0x155: {  	[hbm4b:s4+s2] =	stream.linear.scatter [tilespmem:s10], [sflag:$0x1], $0x800, $0x38;
	v56 =	vpop (erf);
	[tilespmem:$0x9200] =	vst v63  }
0x156: {  	_ =	swait.ge [sflag:s8], $0x800  }
0x157: {  	[sflag:s8] =	ssyncset.done $0x0  }
0x158: {  	v18 =	vmul.f32 v43, v18;
	[sflag:s8] =	ssyncadd.s32 $0xFFFFF800  }
0x159: {  	v15 =	vmul.f32 v43, v15;
	[hbm4b:s5+s2] =	stream.linear.scatter [tilespmem:s11], [sflag:$0x1], $0x800, $0x38;
	[tilespmem:$0x9200] =	vst v63  }
0x15a: {  	v16 =	vmul.f32 v43, v16;
	v9 =	vadd.f32 v18, v9;
	v58 =	vmul.f32 v56, v46;
	_ =	swait.ge [sflag:s8], $0x800  }
0x15b: {  	v12 =	vadd.f32 v15, v12;
	v13 =	vmul.f32 v43, v17;
	v60 =	vmul.f32 v56, v45;
	[sflag:s8] =	ssyncset.done $0x0  }
0x15c: {  	v11 =	vadd.f32 v16, v11;
	v62 =	vmul.f32 v56, v47;
	v9 =	vadd.f32 v58, v9;
	[sflag:s8] =	ssyncadd.s32 $0xFFFFF800  }
0x15d: {  	v10 =	vadd.f32 v13, v10;
	v63 =	vmul.f32 v56, v48;
	v12 =	vadd.f32 v60, v12;
	v57 =	vld [tilespmem:$0x9100]  }
0x15e: {  	v11 =	vadd.f32 v62, v11;
	v59 =	vld [tilespmem:$0x9110];
	[tilespmem:$0x91C0] =	vst v9  }
0x15f: {  	v10 =	vadd.f32 v63, v10;
	v61 =	vld [tilespmem:$0x9120];
	[tilespmem:$0x91D0] =	vst v12  }
0x160: {  	v9 =	vld [tilespmem:$0x9130];
	[tilespmem:$0x91E0] =	vst v11  }
0x161: {  	[tilespmem:$0x91F0] =	vst v10  }
0x162: {  	[tilespmem:$0x9180] =	vst v57  }
0x163: {  	s13 =	sadd.s32 $0x1, s13;
	[tilespmem:$0x9190] =	vst v59  }
0x164: {  	p0 =	sne.s32 s13, s7;
	[tilespmem:$0x91A0] =	vst v61  }
.Ltmp1:
0x165: {  	[tilespmem:$0x91B0] =	vst v9;
	(pc) =	sbr.rel @p0 .LBB2_1-.Ltmp1, $4  }
0x166: {  	[hbm4b:s6+s2] =	stream.linear.scatter [tilespmem:s12], [sflag:$0x1], $0x80, $0x38;
	[tilespmem:$0x9200] =	vst v63  }
0x167: {  	_ =	swait.ge [sflag:s8], $0x80  }
0x168: {  	[sflag:s8] =	ssyncset.done $0x0  }
0x169: {  	[sflag:s8] =	ssyncadd.s32 $0xFFFFFF80  }
0x16a: {  	_ =	sfence.sel $0x180000  }
0x16b: {  	[bflag:$0x0] =	sbarrier.arrive $0xFFFF  }
0x16c: {  	p0 =	sne.s32 s1, $0x0;
	_ =	strace $0x9000004A  }
0x16d: {  	s0 =	sadd.s32 @!p0 $0x100000, s0;
	[bflag:$0x2] =	sbarrier.arrive $0xFFFF  }
0x16e: {  	[sflag:s0] =	ssyncadd.tile.s32 @!p0 $0x1;
	_ =	shalt  }
.Lfunc_end2:
_tile_overlayer_lowered:
.L_overlay_start_2:
0x16f: {  	(tag) =	ssettag $0x2  }
0x170: {  	s0 =	rddreg [dreg:$0x0];
	s2 =	stileid.u32  }
0x171: {  	s1 =	rddreg [dreg:$0x1];
	p0 =	sne.s32 s2, $0x0  }
0x172: {  	s3 =	rddreg [dreg:$0x2];
	[bflag:$0x3] =	sbarrier.arrive $0xFFFF;
	s2 =	simm.s32 @!p0 $0x1C01  }
0x173: {  	[timem:s3], [sflag:s2] =	dma.local @!p0 [hbm:s0], s1  }
0x174: {  	s0 =	simm.s32 @!p0 $0x1  }
0x175: {  	_ =	swait.ge @!p0 [sflag:s0], s1  }
0x176: {  	s1 =	ssub.s32 @!p0 $0x0, s1;
	[sflag:s0] =	ssyncset.done @!p0 $0x0  }
0x177: {  	[sflag:s0] =	ssyncadd.s32 @!p0 s1  }
0x178: {  	[bflag:$0x3] =	sbarrier.arrive $0xFFFF  }
0x179: {  	_ =	shalt  }

</sc_bundles>
